<compile_context>
chip_gen: v7x
topology: tpu7x:2x2x1
jax: 0.10.2.dev20260603
libtpu: 0.0.44.dev20260713+nightly
codegen_flags: <defaults>
</compile_context>

<pallas_src>
import functools

import jax
import jax.numpy as jnp
from jax import lax
from jax.experimental import pallas as pl
from jax.experimental.pallas import tpu as pltpu
from jax.experimental.pallas import tpu_sc as plsc

_N = 10000
_E = 320000
_HX = 128
_HT = 32
_L = 3

_NW = 32
_CHUNK = 128
_CPT = 80
_EPT = _CPT * _CHUNK
_EPAD = _NW * _EPT
_NPAD = 10112
_ZROWS = _NPAD // 16

def _segsum_body(hx, srcp, dstp, zeros_hbm, out, src_v, dst_v, rows0,
                 accum, sem0):
    cid = lax.axis_index("c")
    sid = lax.axis_index("s")
    wid = cid * 16 + sid

    pltpu.sync_copy(srcp.at[wid], src_v)
    pltpu.sync_copy(dstp.at[wid], dst_v)

    pltpu.sync_copy(zeros_hbm, accum.at[pl.ds(sid * _ZROWS, _ZROWS)])
    plsc.subcore_barrier()

    def body(c, _):
        pltpu.async_copy(hx.at[src_v.at[c]], rows0, sem0).wait()
        pltpu.sync_copy(rows0, accum.at[dst_v.at[c]], add=True)
        return 0

    lax.fori_loop(0, _CPT, body, 0)
    plsc.subcore_barrier()

    pltpu.sync_copy(accum.at[pl.ds(sid * _ZROWS, _ZROWS)],
                    out.at[cid, pl.ds(sid * _ZROWS, _ZROWS)])


@functools.cache
def _build_segsum():
    mesh = plsc.VectorSubcoreMesh(core_axis_name="c", subcore_axis_name="s",
                                  num_cores=2, num_subcores=16)
    return pl.kernel(
        _segsum_body,
        out_type=jax.ShapeDtypeStruct((2, _NPAD, _HX), jnp.float32),
        mesh=mesh,
        scratch_types=[
            pltpu.VMEM((_CPT, _CHUNK), jnp.int32),
            pltpu.VMEM((_CPT, _CHUNK), jnp.int32),
            pltpu.VMEM((_CHUNK, _HX), jnp.float32),
            pltpu.VMEM_SHARED((_NPAD, _HX), jnp.float32),
            pltpu.SemaphoreType.DMA,
        ],
    )


_BN = 1000
_GRID = _N // _BN


def _full(shape):
    return pl.BlockSpec(shape, lambda j: tuple(0 for _ in shape))


def _rows(shape):
    return pl.BlockSpec(shape, lambda j: (j,) + tuple(0 for _ in shape[1:]))


def _node_mlp_body(t_ref, wt1_ref, bt1_ref, wt2_ref, bt2_ref,
                   x_ref, wx1_ref, bx1_ref, wx2_ref, bx2_ref,
                   hx_ref, ht_ref):
    t = t_ref[0, 0]
    h1 = jnp.maximum(t * wt1_ref[...] + bt1_ref[...], 0.0)
    ht = jnp.maximum(
        jnp.dot(h1, wt2_ref[...], preferred_element_type=jnp.float32)
        + bt2_ref[...], 0.0)
    ht_ref[...] = ht
    x = x_ref[...]
    a = jnp.maximum(
        jnp.dot(x, wx1_ref[...], preferred_element_type=jnp.float32)
        + bx1_ref[...], 0.0)
    hx_ref[...] = jnp.maximum(
        jnp.dot(a, wx2_ref[...], preferred_element_type=jnp.float32)
        + bx2_ref[...], 0.0)


def _node_mlp(t2, wt1, bt1, wt2, bt2, x, wx1, bx1, wx2, bx2):
    return pl.pallas_call(
        _node_mlp_body,
        grid=(_GRID,),
        in_specs=[
            _full((1, 1)), _full((1, _HT)), _full((1, _HT)),
            _full((_HT, _HT)), _full((1, _HT)),
            _rows((_BN, _HX)), _full((_HX, _HX)), _full((1, _HX)),
            _full((_HX, _HX)), _full((1, _HX)),
        ],
        out_specs=[_rows((_BN, _HX)), _full((1, _HT))],
        out_shape=[
            jax.ShapeDtypeStruct((_N, _HX), jnp.float32),
            jax.ShapeDtypeStruct((1, _HT), jnp.float32),
        ],
    )(t2, wt1, bt1, wt2, bt2, x, wx1, bx1, wx2, bx2)


def _layer_body(p_ref, ht_ref, wgx_ref, wgt_ref, bg_ref, g_ref, b_ref,
                out_ref):
    aggr = p_ref[0] + p_ref[1]
    tvec = jnp.dot(ht_ref[...], wgt_ref[...],
                   preferred_element_type=jnp.float32)
    h = jnp.maximum(
        jnp.dot(aggr, wgx_ref[...], preferred_element_type=jnp.float32)
        + tvec + bg_ref[...], 0.0)
    m = jnp.mean(h, axis=-1, keepdims=True)
    c = h - m
    v = jnp.mean(c * c, axis=-1, keepdims=True)
    out_ref[...] = c * jax.lax.rsqrt(v + 1e-5) * g_ref[...] + b_ref[...]


def _layer_update(p, ht, wgx, wgt, bg_i, g_i, b_i):
    return pl.pallas_call(
        _layer_body,
        grid=(_GRID,),
        in_specs=[
            pl.BlockSpec((2, _BN, _HX), lambda j: (0, j, 0)),
            _full((1, _HT)), _full((_HX, _HX)), _full((_HT, _HX)),
            _full((1, _HX)), _full((1, _HX)), _full((1, _HX)),
        ],
        out_specs=_rows((_BN, _HX)),
        out_shape=jax.ShapeDtypeStruct((_N, _HX), jnp.float32),
    )(p, ht, wgx, wgt, bg_i, g_i, b_i)


def _readout_body(h0_ref, h1_ref, h2_ref, h3_ref, ht_ref,
                  w1x_ref, w1t_ref, bo1_ref, wo2_ref, bo2_ref, out_ref):
    hcat = jnp.concatenate(
        [h0_ref[...], h1_ref[...], h2_ref[...], h3_ref[...]], axis=1)
    tvec = jnp.dot(ht_ref[...], w1t_ref[...],
                   preferred_element_type=jnp.float32)
    y = jnp.maximum(
        jnp.dot(hcat, w1x_ref[...], preferred_element_type=jnp.float32)
        + tvec + bo1_ref[...], 0.0)
    out_ref[...] = (
        jnp.dot(y, wo2_ref[...], preferred_element_type=jnp.float32)
        + bo2_ref[...])


def _readout(h0, h1, h2, h3, ht, w1x, w1t, bo1, wo2, bo2):
    cat = 4 * _HX + _HT
    return pl.pallas_call(
        _readout_body,
        grid=(_GRID,),
        in_specs=[
            _rows((_BN, _HX)), _rows((_BN, _HX)), _rows((_BN, _HX)),
            _rows((_BN, _HX)), _full((1, _HT)),
            _full((4 * _HX, cat)), _full((_HT, cat)), _full((1, cat)),
            _full((cat, _HX)), _full((1, _HX)),
        ],
        out_specs=_rows((_BN, _HX)),
        out_shape=jax.ShapeDtypeStruct((_N, _HX), jnp.float32),
    )(h0, h1, h2, h3, ht, w1x, w1t, bo1, wo2, bo2)


def kernel(t_float, X_t_one_hot, edge_index, Wt1, bt1, Wt2, bt2, Wx1, bx1,
           Wx2, bx2, Wg, bg, g_ln, b_ln, Wo1, bo1, Wo2, bo2):
    src = edge_index[0].astype(jnp.int32)
    dst = edge_index[1].astype(jnp.int32)
    pad = _EPAD - _E
    it = jnp.arange(pad, dtype=jnp.int32)
    srcp = jnp.concatenate([src, it % _N])
    dstp = jnp.concatenate([dst, _N + it % (_NPAD - _N)])
    srcp = srcp.reshape(_NW, _CPT, _CHUNK)
    dstp = dstp.reshape(_NW, _CPT, _CHUNK)
    zeros_hbm = jnp.zeros((_ZROWS, _HX), jnp.float32)

    t2 = t_float.reshape(1, 1)
    hX, ht = _node_mlp(t2, Wt1, bt1.reshape(1, _HT), Wt2, bt2.reshape(1, _HT),
                       X_t_one_hot, Wx1, bx1.reshape(1, _HX), Wx2,
                       bx2.reshape(1, _HX))

    hs = [hX]
    for i in range(_L):
        p = _build_segsum()(hX, srcp, dstp, zeros_hbm)
        hX = _layer_update(p, ht, Wg[i, :_HX], Wg[i, _HX:],
                           bg[i].reshape(1, _HX), g_ln[i].reshape(1, _HX),
                           b_ln[i].reshape(1, _HX))
        hs.append(hX)

    cat = 4 * _HX + _HT
    out = _readout(hs[0], hs[1], hs[2], hs[3], ht,
                   Wo1[:4 * _HX], Wo1[4 * _HX:], bo1.reshape(1, cat),
                   Wo2, bo2.reshape(1, _HX))
    return out

# --- scband reference (transcript-rebuilt; emitter-appended) ---
"""Pipeline reference for scband-gnntower-19396072308944 (READ-ONLY COPY).

The authoritative reference and input builder live on the scoring server;
editing this copy changes nothing except your own understanding.
"""

import jax, jax.numpy as jnp
import numpy as np

N = 10000
E = 320000
IN_X = 128
HID_X = 128
HID_T = 32
L = 3
OUT = 128
CAT = (L + 1) * HID_X + HID_T

def _init(key, shape):
    return jax.random.normal(key, shape, dtype=jnp.float32) * (1.0 / np.sqrt(shape[-2]))

def _ln(x, g, b):
    m = jnp.mean(x, axis=-1, keepdims=True)
    v = jnp.var(x, axis=-1, keepdims=True)
    return (x - m) / jnp.sqrt(v + 1e-5) * g + b

def setup_inputs(seed: int = 0):
    key = jax.random.key(seed)
    ks = jax.random.split(key, 16)
    inp = {}
    inp['t_float'] = jax.random.uniform(ks[0], (1,), dtype=jnp.float32)
    inp['X_t_one_hot'] = jax.random.uniform(ks[1], (N, IN_X), dtype=jnp.float32)
    inp['edge_index'] = jax.random.randint(ks[2], (2, E), 0, N)
    inp['Wt1'] = _init(ks[3], (1, HID_T)); inp['bt1'] = jnp.zeros((HID_T,), jnp.float32)
    inp['Wt2'] = _init(ks[4], (HID_T, HID_T)); inp['bt2'] = jnp.zeros((HID_T,), jnp.float32)
    inp['Wx1'] = _init(ks[5], (IN_X, HID_X)); inp['bx1'] = jnp.zeros((HID_X,), jnp.float32)
    inp['Wx2'] = _init(ks[6], (HID_X, HID_X)); inp['bx2'] = jnp.zeros((HID_X,), jnp.float32)
    inp['Wg'] = _init(ks[7], (L, HID_X + HID_T, HID_X))
    inp['bg'] = jnp.zeros((L, HID_X), jnp.float32)
    inp['g_ln'] = jnp.ones((L, HID_X), jnp.float32)
    inp['b_ln'] = jnp.zeros((L, HID_X), jnp.float32)
    inp['Wo1'] = _init(ks[8], (CAT, CAT)); inp['bo1'] = jnp.zeros((CAT,), jnp.float32)
    inp['Wo2'] = _init(ks[9], (CAT, OUT)); inp['bo2'] = jnp.zeros((OUT,), jnp.float32)
    return inp

def _forward(t_float, X, edge_index, Wt1, bt1, Wt2, bt2, Wx1, bx1, Wx2, bx2, Wg, bg, g_ln, b_ln, Wo1, bo1, Wo2, bo2):
    h_t = jax.nn.relu(jax.nn.relu(t_float @ Wt1 + bt1) @ Wt2 + bt2)
    h_t = h_t[None, :]
    h_X = jax.nn.relu(jax.nn.relu(X @ Wx1 + bx1) @ Wx2 + bx2)
    src = edge_index[0]
    dst = edge_index[1]
    h_t_full = jnp.broadcast_to(h_t, (N, HID_T))
    hs = [h_X]
    for i in range(L):
        aggr = jax.ops.segment_sum(h_X[src], dst, num_segments=N)
        h = jnp.concatenate([aggr, h_t_full], axis=1)
        h = jax.nn.relu(h @ Wg[i] + bg[i])
        h_X = _ln(h, g_ln[i], b_ln[i])
        hs.append(h_X)
    h_cat = jnp.concatenate(hs + [h_t_full], axis=1)
    return jax.nn.relu(h_cat @ Wo1 + bo1) @ Wo2 + bo2

def reference(t_float, X_t_one_hot, edge_index, Wt1, bt1, Wt2, bt2, Wx1, bx1, Wx2, bx2, Wg, bg, g_ln, b_ln, Wo1, bo1, Wo2, bo2):
    return _forward(t_float, X_t_one_hot, edge_index, Wt1, bt1, Wt2, bt2, Wx1, bx1, Wx2, bx2, Wg, bg, g_ln, b_ln, Wo1, bo1, Wo2, bo2)

if __name__ == "__main__":
    import jax
    _d = setup_inputs()
    print(jax.jit(kernel)(*tuple(_d.values())))

</pallas_src>

<mosaic_0001>
#map = affine_map<(d0, d1) -> (0, 0)>
#map1 = affine_map<(d0, d1) -> (0, 0, 0)>
module attributes {stable_mosaic.version = 14 : i64} {
  func.func @_segsum_body(%arg0: i32, %arg1: i32, %arg2: memref<10000x128xf32, #tpu.memory_space<hbm>>, %arg3: memref<32x80x128xi32, #tpu.memory_space<hbm>>, %arg4: memref<32x80x128xi32, #tpu.memory_space<hbm>>, %arg5: memref<632x128xf32, #tpu.memory_space<hbm>>, %arg6: memref<2x10112x128xf32, #tpu.memory_space<hbm>>, %arg7: memref<80x128xi32, #tpu.memory_space<vmem>>, %arg8: memref<80x128xi32, #tpu.memory_space<vmem>>, %arg9: memref<128x128xf32, #tpu.memory_space<vmem>>, %arg10: memref<10112x128xf32, #tpu.memory_space<vmem_shared>>, %arg11: memref<!tpu.dma_semaphore, #tpu.memory_space<semaphore_mem>>) attributes {dimension_semantics = [#tpu.dimension_semantics<core_parallel>, #tpu.dimension_semantics<subcore_parallel>], iteration_bounds = array<i64: 2, 16>, scalar_prefetch = 0 : i64, scratch_operands = 5 : i64, tpu.core_type = #tpu.core_type<sc_vector_subcore>, window_params = [{transform_indices = #map}, {transform_indices = #map1}, {transform_indices = #map1}, {transform_indices = #map}, {transform_indices = #map1}]} {
    %mul3A = arith.constant 16 : i32
    %mul3A_0 = arith.muli %arg0, %mul3A : i32
    %add3A = arith.addi %mul3A_0, %arg1 : i32
    "tpu.region"() ({
      %run_scoped3A = tpu.sem_alloc : memref<!tpu.dma_semaphore, #tpu.memory_space<semaphore_mem>>
      %dma_start3A = arith.constant 0 : i32
      %dma_start3A_14 = arith.constant 0 : i32
      %dma_start3A_15 = tpu.memref_slice %arg3[%add3A, %dma_start3A, %dma_start3A_14] : memref<32x80x128xi32, #tpu.memory_space<hbm>> -> memref<1x80x128xi32, #tpu.memory_space<hbm>>
      %dma_start3A_16 = tpu.memref_squeeze %dma_start3A_15 : memref<1x80x128xi32, #tpu.memory_space<hbm>> -> memref<80x128xi32, #tpu.memory_space<hbm>>
      %dma_start3A_17 = arith.constant 0 : i32
      %dma_start3A_18 = arith.constant 0 : i32
      %dma_start3A_19 = tpu.memref_slice %arg3[%add3A, %dma_start3A_17, %dma_start3A_18] : memref<32x80x128xi32, #tpu.memory_space<hbm>> -> memref<1x80x128xi32, #tpu.memory_space<hbm>>
      %dma_start3A_20 = tpu.memref_squeeze %dma_start3A_19 : memref<1x80x128xi32, #tpu.memory_space<hbm>> -> memref<80x128xi32, #tpu.memory_space<hbm>>
      tpu.enqueue_dma source(%dma_start3A_20 : memref<80x128xi32, #tpu.memory_space<hbm>>) target(%arg7 : memref<80x128xi32, #tpu.memory_space<vmem>>) target_semaphore(%run_scoped3A : memref<!tpu.dma_semaphore, #tpu.memory_space<semaphore_mem>>)
      %dma_wait3A = arith.constant 0 : i32
      %dma_wait3A_21 = arith.constant 0 : i32
      %dma_wait3A_22 = tpu.memref_slice %arg3[%add3A, %dma_wait3A, %dma_wait3A_21] : memref<32x80x128xi32, #tpu.memory_space<hbm>> -> memref<1x80x128xi32, #tpu.memory_space<hbm>>
      %dma_wait3A_23 = tpu.memref_squeeze %dma_wait3A_22 : memref<1x80x128xi32, #tpu.memory_space<hbm>> -> memref<80x128xi32, #tpu.memory_space<hbm>>
      %dma_wait3A_24 = arith.constant 0 : i32
      %dma_wait3A_25 = arith.constant 0 : i32
      %dma_wait3A_26 = tpu.memref_slice %arg3[%add3A, %dma_wait3A_24, %dma_wait3A_25] : memref<32x80x128xi32, #tpu.memory_space<hbm>> -> memref<1x80x128xi32, #tpu.memory_space<hbm>>
      %dma_wait3A_27 = tpu.memref_squeeze %dma_wait3A_26 : memref<1x80x128xi32, #tpu.memory_space<hbm>> -> memref<80x128xi32, #tpu.memory_space<hbm>>
      tpu.wait_dma2 semaphore(%run_scoped3A : memref<!tpu.dma_semaphore, #tpu.memory_space<semaphore_mem>>) src(%dma_wait3A_27 : memref<80x128xi32, #tpu.memory_space<hbm>>) dst(%arg7 : memref<80x128xi32, #tpu.memory_space<vmem>>)
      tpu.yield
    }) : () -> ()
    "tpu.region"() ({
      %run_scoped3A = tpu.sem_alloc : memref<!tpu.dma_semaphore, #tpu.memory_space<semaphore_mem>>
      %dma_start3A = arith.constant 0 : i32
      %dma_start3A_14 = arith.constant 0 : i32
      %dma_start3A_15 = tpu.memref_slice %arg4[%add3A, %dma_start3A, %dma_start3A_14] : memref<32x80x128xi32, #tpu.memory_space<hbm>> -> memref<1x80x128xi32, #tpu.memory_space<hbm>>
      %dma_start3A_16 = tpu.memref_squeeze %dma_start3A_15 : memref<1x80x128xi32, #tpu.memory_space<hbm>> -> memref<80x128xi32, #tpu.memory_space<hbm>>
      %dma_start3A_17 = arith.constant 0 : i32
      %dma_start3A_18 = arith.constant 0 : i32
      %dma_start3A_19 = tpu.memref_slice %arg4[%add3A, %dma_start3A_17, %dma_start3A_18] : memref<32x80x128xi32, #tpu.memory_space<hbm>> -> memref<1x80x128xi32, #tpu.memory_space<hbm>>
      %dma_start3A_20 = tpu.memref_squeeze %dma_start3A_19 : memref<1x80x128xi32, #tpu.memory_space<hbm>> -> memref<80x128xi32, #tpu.memory_space<hbm>>
      tpu.enqueue_dma source(%dma_start3A_20 : memref<80x128xi32, #tpu.memory_space<hbm>>) target(%arg8 : memref<80x128xi32, #tpu.memory_space<vmem>>) target_semaphore(%run_scoped3A : memref<!tpu.dma_semaphore, #tpu.memory_space<semaphore_mem>>)
      %dma_wait3A = arith.constant 0 : i32
      %dma_wait3A_21 = arith.constant 0 : i32
      %dma_wait3A_22 = tpu.memref_slice %arg4[%add3A, %dma_wait3A, %dma_wait3A_21] : memref<32x80x128xi32, #tpu.memory_space<hbm>> -> memref<1x80x128xi32, #tpu.memory_space<hbm>>
      %dma_wait3A_23 = tpu.memref_squeeze %dma_wait3A_22 : memref<1x80x128xi32, #tpu.memory_space<hbm>> -> memref<80x128xi32, #tpu.memory_space<hbm>>
      %dma_wait3A_24 = arith.constant 0 : i32
      %dma_wait3A_25 = arith.constant 0 : i32
      %dma_wait3A_26 = tpu.memref_slice %arg4[%add3A, %dma_wait3A_24, %dma_wait3A_25] : memref<32x80x128xi32, #tpu.memory_space<hbm>> -> memref<1x80x128xi32, #tpu.memory_space<hbm>>
      %dma_wait3A_27 = tpu.memref_squeeze %dma_wait3A_26 : memref<1x80x128xi32, #tpu.memory_space<hbm>> -> memref<80x128xi32, #tpu.memory_space<hbm>>
      tpu.wait_dma2 semaphore(%run_scoped3A : memref<!tpu.dma_semaphore, #tpu.memory_space<semaphore_mem>>) src(%dma_wait3A_27 : memref<80x128xi32, #tpu.memory_space<hbm>>) dst(%arg8 : memref<80x128xi32, #tpu.memory_space<vmem>>)
      tpu.yield
    }) : () -> ()
    %mul3A_1 = arith.constant 632 : i32
    %mul3A_2 = arith.muli %arg1, %mul3A_1 : i32
    "tpu.region"() ({
      %run_scoped3A = tpu.sem_alloc : memref<!tpu.dma_semaphore, #tpu.memory_space<semaphore_mem>>
      %dma_start3A = arith.constant 0 : i32
      %dma_start3A_14 = tpu.memref_slice %arg10[%mul3A_2, %dma_start3A] : memref<10112x128xf32, #tpu.memory_space<vmem_shared>> -> memref<632x128xf32, #tpu.memory_space<vmem_shared>>
      tpu.enqueue_dma source(%arg5 : memref<632x128xf32, #tpu.memory_space<hbm>>) target(%dma_start3A_14 : memref<632x128xf32, #tpu.memory_space<vmem_shared>>) target_semaphore(%run_scoped3A : memref<!tpu.dma_semaphore, #tpu.memory_space<semaphore_mem>>)
      %dma_wait3A = arith.constant 0 : i32
      %dma_wait3A_15 = tpu.memref_slice %arg10[%mul3A_2, %dma_wait3A] : memref<10112x128xf32, #tpu.memory_space<vmem_shared>> -> memref<632x128xf32, #tpu.memory_space<vmem_shared>>
      tpu.wait_dma2 semaphore(%run_scoped3A : memref<!tpu.dma_semaphore, #tpu.memory_space<semaphore_mem>>) src(%arg5 : memref<632x128xf32, #tpu.memory_space<hbm>>) dst(%dma_wait3A_15 : memref<632x128xf32, #tpu.memory_space<vmem_shared>>)
      tpu.yield
    }) : () -> ()
    %barrier3A = arith.constant 0 : index
    tpu.barrier barrier_id(%barrier3A)
    %scan3A = arith.constant 0 : i32
    %scan3A_3 = arith.constant 0 : i32
    %scan3A_4 = arith.constant 80 : i32
    %scan3A_5 = arith.addi %scan3A_3, %scan3A_4 : i32
    %scan3A_6 = arith.constant 1 : i32
    %scan3A_7 = scf.for %scan3A_14 = %scan3A_3 to %scan3A_5 step %scan3A_6 iter_args(%scan3A_15 = %scan3A) -> (i32)  : i32 {
      %dma_start3A = arith.constant 0 : i32
      %dma_start3A_16 = tpu.memref_slice %arg7[%scan3A_14, %dma_start3A] : memref<80x128xi32, #tpu.memory_space<vmem>> -> memref<1x128xi32, #tpu.memory_space<vmem>>
      %dma_start3A_17 = tpu.memref_squeeze %dma_start3A_16 : memref<1x128xi32, #tpu.memory_space<vmem>> -> memref<128xi32, #tpu.memory_space<vmem>>
      %dma_start3A_18 = arith.constant 0 : i32
      %dma_start3A_19 = arith.constant 0 : i32
      %dma_start3A_20 = tpu.memref_slice %arg2[%dma_start3A_18, %dma_start3A_19] : memref<10000x128xf32, #tpu.memory_space<hbm>> -> memref<10000x128xf32, #tpu.memory_space<hbm>>
      tpu.enqueue_indirect_dma source(%dma_start3A_20 : memref<10000x128xf32, #tpu.memory_space<hbm>>) target(%arg9 : memref<128x128xf32, #tpu.memory_space<vmem>>) offsets(%dma_start3A_17 : memref<128xi32, #tpu.memory_space<vmem>>) semaphore(%arg11 : memref<!tpu.dma_semaphore, #tpu.memory_space<semaphore_mem>>)
      %dma_wait3A = arith.constant 0 : i32
      %dma_wait3A_21 = tpu.memref_slice %arg7[%scan3A_14, %dma_wait3A] : memref<80x128xi32, #tpu.memory_space<vmem>> -> memref<1x128xi32, #tpu.memory_space<vmem>>
      %dma_wait3A_22 = tpu.memref_squeeze %dma_wait3A_21 : memref<1x128xi32, #tpu.memory_space<vmem>> -> memref<128xi32, #tpu.memory_space<vmem>>
      %dma_wait3A_23 = arith.constant 0 : i32
      %dma_wait3A_24 = arith.constant 0 : i32
      %dma_wait3A_25 = tpu.memref_slice %arg2[%dma_wait3A_23, %dma_wait3A_24] : memref<10000x128xf32, #tpu.memory_space<hbm>> -> memref<10000x128xf32, #tpu.memory_space<hbm>>
      tpu.wait_indirect_dma semaphore(%arg11 : memref<!tpu.dma_semaphore, #tpu.memory_space<semaphore_mem>>) src(%dma_wait3A_25 : memref<10000x128xf32, #tpu.memory_space<hbm>>) dst(%arg9 : memref<128x128xf32, #tpu.memory_space<vmem>>)
      "tpu.region"() ({
        %run_scoped3A = tpu.sem_alloc : memref<!tpu.dma_semaphore, #tpu.memory_space<semaphore_mem>>
        %dma_start3A_27 = arith.constant 0 : i32
        %dma_start3A_28 = tpu.memref_slice %arg8[%scan3A_14, %dma_start3A_27] : memref<80x128xi32, #tpu.memory_space<vmem>> -> memref<1x128xi32, #tpu.memory_space<vmem>>
        %dma_start3A_29 = tpu.memref_squeeze %dma_start3A_28 : memref<1x128xi32, #tpu.memory_space<vmem>> -> memref<128xi32, #tpu.memory_space<vmem>>
        %dma_start3A_30 = arith.constant 0 : i32
        %dma_start3A_31 = arith.constant 0 : i32
        %dma_start3A_32 = tpu.memref_slice %arg10[%dma_start3A_30, %dma_start3A_31] : memref<10112x128xf32, #tpu.memory_space<vmem_shared>> -> memref<10112x128xf32, #tpu.memory_space<vmem_shared>>
        tpu.enqueue_indirect_dma source(%arg9 : memref<128x128xf32, #tpu.memory_space<vmem>>) target(%dma_start3A_32 : memref<10112x128xf32, #tpu.memory_space<vmem_shared>>) offsets(%dma_start3A_29 : memref<128xi32, #tpu.memory_space<vmem>>) semaphore(%run_scoped3A : memref<!tpu.dma_semaphore, #tpu.memory_space<semaphore_mem>>) {add = true}
        %dma_wait3A_33 = arith.constant 0 : i32
        %dma_wait3A_34 = tpu.memref_slice %arg8[%scan3A_14, %dma_wait3A_33] : memref<80x128xi32, #tpu.memory_space<vmem>> -> memref<1x128xi32, #tpu.memory_space<vmem>>
        %dma_wait3A_35 = tpu.memref_squeeze %dma_wait3A_34 : memref<1x128xi32, #tpu.memory_space<vmem>> -> memref<128xi32, #tpu.memory_space<vmem>>
        %dma_wait3A_36 = arith.constant 0 : i32
        %dma_wait3A_37 = arith.constant 0 : i32
        %dma_wait3A_38 = tpu.memref_slice %arg10[%dma_wait3A_36, %dma_wait3A_37] : memref<10112x128xf32, #tpu.memory_space<vmem_shared>> -> memref<10112x128xf32, #tpu.memory_space<vmem_shared>>
        tpu.wait_indirect_dma semaphore(%run_scoped3A : memref<!tpu.dma_semaphore, #tpu.memory_space<semaphore_mem>>) src(%arg9 : memref<128x128xf32, #tpu.memory_space<vmem>>) dst(%dma_wait3A_38 : memref<10112x128xf32, #tpu.memory_space<vmem_shared>>)
        tpu.yield
      }) : () -> ()
      %scan3A_26 = arith.constant 0 : i32
      scf.yield %scan3A_26 : i32
    }
    %scan3A_8 = arith.constant 80 : i32
    %barrier3A_9 = arith.constant 0 : index
    tpu.barrier barrier_id(%barrier3A_9)
    %mul3A_10 = arith.constant 632 : i32
    %mul3A_11 = arith.muli %arg1, %mul3A_10 : i32
    %mul3A_12 = arith.constant 632 : i32
    %mul3A_13 = arith.muli %arg1, %mul3A_12 : i32
    "tpu.region"() ({
      %run_scoped3A = tpu.sem_alloc : memref<!tpu.dma_semaphore, #tpu.memory_space<semaphore_mem>>
      %dma_start3A = arith.constant 0 : i32
      %dma_start3A_14 = tpu.memref_slice %arg6[%arg0, %mul3A_13, %dma_start3A] : memref<2x10112x128xf32, #tpu.memory_space<hbm>> -> memref<1x632x128xf32, #tpu.memory_space<hbm>>
      %dma_start3A_15 = tpu.memref_squeeze %dma_start3A_14 : memref<1x632x128xf32, #tpu.memory_space<hbm>> -> memref<632x128xf32, #tpu.memory_space<hbm>>
      %dma_start3A_16 = arith.constant 0 : i32
      %dma_start3A_17 = tpu.memref_slice %arg10[%mul3A_11, %dma_start3A_16] : memref<10112x128xf32, #tpu.memory_space<vmem_shared>> -> memref<632x128xf32, #tpu.memory_space<vmem_shared>>
      tpu.enqueue_dma source(%dma_start3A_17 : memref<632x128xf32, #tpu.memory_space<vmem_shared>>) target(%dma_start3A_15 : memref<632x128xf32, #tpu.memory_space<hbm>>) target_semaphore(%run_scoped3A : memref<!tpu.dma_semaphore, #tpu.memory_space<semaphore_mem>>)
      %dma_wait3A = arith.constant 0 : i32
      %dma_wait3A_18 = tpu.memref_slice %arg6[%arg0, %mul3A_13, %dma_wait3A] : memref<2x10112x128xf32, #tpu.memory_space<hbm>> -> memref<1x632x128xf32, #tpu.memory_space<hbm>>
      %dma_wait3A_19 = tpu.memref_squeeze %dma_wait3A_18 : memref<1x632x128xf32, #tpu.memory_space<hbm>> -> memref<632x128xf32, #tpu.memory_space<hbm>>
      %dma_wait3A_20 = arith.constant 0 : i32
      %dma_wait3A_21 = tpu.memref_slice %arg10[%mul3A_11, %dma_wait3A_20] : memref<10112x128xf32, #tpu.memory_space<vmem_shared>> -> memref<632x128xf32, #tpu.memory_space<vmem_shared>>
      tpu.wait_dma2 semaphore(%run_scoped3A : memref<!tpu.dma_semaphore, #tpu.memory_space<semaphore_mem>>) src(%dma_wait3A_21 : memref<632x128xf32, #tpu.memory_space<vmem_shared>>) dst(%dma_wait3A_19 : memref<632x128xf32, #tpu.memory_space<hbm>>)
      tpu.yield
    }) : () -> ()
    return
  }
}

#map = affine_map<(d0, d1) -> (0, 0)>
#map1 = affine_map<(d0, d1) -> (0, 0, 0)>
module attributes {stable_mosaic.version = 14 : i64} {
  func.func @_segsum_body(%arg0: i32, %arg1: i32, %arg2: memref<10000x128xf32, #tpu.memory_space<hbm>>, %arg3: memref<32x80x128xi32, #tpu.memory_space<hbm>>, %arg4: memref<32x80x128xi32, #tpu.memory_space<hbm>>, %arg5: memref<632x128xf32, #tpu.memory_space<hbm>>, %arg6: memref<2x10112x128xf32, #tpu.memory_space<hbm>>, %arg7: memref<80x128xi32, #tpu.memory_space<vmem>>, %arg8: memref<80x128xi32, #tpu.memory_space<vmem>>, %arg9: memref<128x128xf32, #tpu.memory_space<vmem>>, %arg10: memref<10112x128xf32, #tpu.memory_space<vmem_shared>>, %arg11: memref<!tpu.dma_semaphore, #tpu.memory_space<semaphore_mem>>) attributes {dimension_semantics = [#tpu.dimension_semantics<core_parallel>, #tpu.dimension_semantics<subcore_parallel>], iteration_bounds = array<i64: 2, 16>, scalar_prefetch = 0 : i64, scratch_operands = 5 : i64, tpu.core_type = #tpu.core_type<sc_vector_subcore>, window_params = [{transform_indices = #map}, {transform_indices = #map1}, {transform_indices = #map1}, {transform_indices = #map}, {transform_indices = #map1}]} {
    %mul3A = arith.constant 16 : i32
    %mul3A_0 = arith.muli %arg0, %mul3A : i32
    %add3A = arith.addi %mul3A_0, %arg1 : i32
    "tpu.region"() ({
      %run_scoped3A = tpu.sem_alloc : memref<!tpu.dma_semaphore, #tpu.memory_space<semaphore_mem>>
      %dma_start3A = arith.constant 0 : i32
      %dma_start3A_14 = arith.constant 0 : i32
      %dma_start3A_15 = tpu.memref_slice %arg3[%add3A, %dma_start3A, %dma_start3A_14] : memref<32x80x128xi32, #tpu.memory_space<hbm>> -> memref<1x80x128xi32, #tpu.memory_space<hbm>>
      %dma_start3A_16 = tpu.memref_squeeze %dma_start3A_15 : memref<1x80x128xi32, #tpu.memory_space<hbm>> -> memref<80x128xi32, #tpu.memory_space<hbm>>
      %dma_start3A_17 = arith.constant 0 : i32
      %dma_start3A_18 = arith.constant 0 : i32
      %dma_start3A_19 = tpu.memref_slice %arg3[%add3A, %dma_start3A_17, %dma_start3A_18] : memref<32x80x128xi32, #tpu.memory_space<hbm>> -> memref<1x80x128xi32, #tpu.memory_space<hbm>>
      %dma_start3A_20 = tpu.memref_squeeze %dma_start3A_19 : memref<1x80x128xi32, #tpu.memory_space<hbm>> -> memref<80x128xi32, #tpu.memory_space<hbm>>
      tpu.enqueue_dma source(%dma_start3A_20 : memref<80x128xi32, #tpu.memory_space<hbm>>) target(%arg7 : memref<80x128xi32, #tpu.memory_space<vmem>>) target_semaphore(%run_scoped3A : memref<!tpu.dma_semaphore, #tpu.memory_space<semaphore_mem>>)
      %dma_wait3A = arith.constant 0 : i32
      %dma_wait3A_21 = arith.constant 0 : i32
      %dma_wait3A_22 = tpu.memref_slice %arg3[%add3A, %dma_wait3A, %dma_wait3A_21] : memref<32x80x128xi32, #tpu.memory_space<hbm>> -> memref<1x80x128xi32, #tpu.memory_space<hbm>>
      %dma_wait3A_23 = tpu.memref_squeeze %dma_wait3A_22 : memref<1x80x128xi32, #tpu.memory_space<hbm>> -> memref<80x128xi32, #tpu.memory_space<hbm>>
      %dma_wait3A_24 = arith.constant 0 : i32
      %dma_wait3A_25 = arith.constant 0 : i32
      %dma_wait3A_26 = tpu.memref_slice %arg3[%add3A, %dma_wait3A_24, %dma_wait3A_25] : memref<32x80x128xi32, #tpu.memory_space<hbm>> -> memref<1x80x128xi32, #tpu.memory_space<hbm>>
      %dma_wait3A_27 = tpu.memref_squeeze %dma_wait3A_26 : memref<1x80x128xi32, #tpu.memory_space<hbm>> -> memref<80x128xi32, #tpu.memory_space<hbm>>
      tpu.wait_dma2 semaphore(%run_scoped3A : memref<!tpu.dma_semaphore, #tpu.memory_space<semaphore_mem>>) src(%dma_wait3A_27 : memref<80x128xi32, #tpu.memory_space<hbm>>) dst(%arg7 : memref<80x128xi32, #tpu.memory_space<vmem>>)
      tpu.yield
    }) : () -> ()
    "tpu.region"() ({
      %run_scoped3A = tpu.sem_alloc : memref<!tpu.dma_semaphore, #tpu.memory_space<semaphore_mem>>
      %dma_start3A = arith.constant 0 : i32
      %dma_start3A_14 = arith.constant 0 : i32
      %dma_start3A_15 = tpu.memref_slice %arg4[%add3A, %dma_start3A, %dma_start3A_14] : memref<32x80x128xi32, #tpu.memory_space<hbm>> -> memref<1x80x128xi32, #tpu.memory_space<hbm>>
      %dma_start3A_16 = tpu.memref_squeeze %dma_start3A_15 : memref<1x80x128xi32, #tpu.memory_space<hbm>> -> memref<80x128xi32, #tpu.memory_space<hbm>>
      %dma_start3A_17 = arith.constant 0 : i32
      %dma_start3A_18 = arith.constant 0 : i32
      %dma_start3A_19 = tpu.memref_slice %arg4[%add3A, %dma_start3A_17, %dma_start3A_18] : memref<32x80x128xi32, #tpu.memory_space<hbm>> -> memref<1x80x128xi32, #tpu.memory_space<hbm>>
      %dma_start3A_20 = tpu.memref_squeeze %dma_start3A_19 : memref<1x80x128xi32, #tpu.memory_space<hbm>> -> memref<80x128xi32, #tpu.memory_space<hbm>>
      tpu.enqueue_dma source(%dma_start3A_20 : memref<80x128xi32, #tpu.memory_space<hbm>>) target(%arg8 : memref<80x128xi32, #tpu.memory_space<vmem>>) target_semaphore(%run_scoped3A : memref<!tpu.dma_semaphore, #tpu.memory_space<semaphore_mem>>)
      %dma_wait3A = arith.constant 0 : i32
      %dma_wait3A_21 = arith.constant 0 : i32
      %dma_wait3A_22 = tpu.memref_slice %arg4[%add3A, %dma_wait3A, %dma_wait3A_21] : memref<32x80x128xi32, #tpu.memory_space<hbm>> -> memref<1x80x128xi32, #tpu.memory_space<hbm>>
      %dma_wait3A_23 = tpu.memref_squeeze %dma_wait3A_22 : memref<1x80x128xi32, #tpu.memory_space<hbm>> -> memref<80x128xi32, #tpu.memory_space<hbm>>
      %dma_wait3A_24 = arith.constant 0 : i32
      %dma_wait3A_25 = arith.constant 0 : i32
      %dma_wait3A_26 = tpu.memref_slice %arg4[%add3A, %dma_wait3A_24, %dma_wait3A_25] : memref<32x80x128xi32, #tpu.memory_space<hbm>> -> memref<1x80x128xi32, #tpu.memory_space<hbm>>
      %dma_wait3A_27 = tpu.memref_squeeze %dma_wait3A_26 : memref<1x80x128xi32, #tpu.memory_space<hbm>> -> memref<80x128xi32, #tpu.memory_space<hbm>>
      tpu.wait_dma2 semaphore(%run_scoped3A : memref<!tpu.dma_semaphore, #tpu.memory_space<semaphore_mem>>) src(%dma_wait3A_27 : memref<80x128xi32, #tpu.memory_space<hbm>>) dst(%arg8 : memref<80x128xi32, #tpu.memory_space<vmem>>)
      tpu.yield
    }) : () -> ()
    %mul3A_1 = arith.constant 632 : i32
    %mul3A_2 = arith.muli %arg1, %mul3A_1 : i32
    "tpu.region"() ({
      %run_scoped3A = tpu.sem_alloc : memref<!tpu.dma_semaphore, #tpu.memory_space<semaphore_mem>>
      %dma_start3A = arith.constant 0 : i32
      %dma_start3A_14 = tpu.memref_slice %arg10[%mul3A_2, %dma_start3A] : memref<10112x128xf32, #tpu.memory_space<vmem_shared>> -> memref<632x128xf32, #tpu.memory_space<vmem_shared>>
      tpu.enqueue_dma source(%arg5 : memref<632x128xf32, #tpu.memory_space<hbm>>) target(%dma_start3A_14 : memref<632x128xf32, #tpu.memory_space<vmem_shared>>) target_semaphore(%run_scoped3A : memref<!tpu.dma_semaphore, #tpu.memory_space<semaphore_mem>>)
      %dma_wait3A = arith.constant 0 : i32
      %dma_wait3A_15 = tpu.memref_slice %arg10[%mul3A_2, %dma_wait3A] : memref<10112x128xf32, #tpu.memory_space<vmem_shared>> -> memref<632x128xf32, #tpu.memory_space<vmem_shared>>
      tpu.wait_dma2 semaphore(%run_scoped3A : memref<!tpu.dma_semaphore, #tpu.memory_space<semaphore_mem>>) src(%arg5 : memref<632x128xf32, #tpu.memory_space<hbm>>) dst(%dma_wait3A_15 : memref<632x128xf32, #tpu.memory_space<vmem_shared>>)
      tpu.yield
    }) : () -> ()
    %barrier3A = arith.constant 0 : index
    tpu.barrier barrier_id(%barrier3A)
    %scan3A = arith.constant 0 : i32
    %scan3A_3 = arith.constant 0 : i32
    %scan3A_4 = arith.constant 80 : i32
    %scan3A_5 = arith.addi %scan3A_3, %scan3A_4 : i32
    %scan3A_6 = arith.constant 1 : i32
    %scan3A_7 = scf.for %scan3A_14 = %scan3A_3 to %scan3A_5 step %scan3A_6 iter_args(%scan3A_15 = %scan3A) -> (i32)  : i32 {
      %dma_start3A = arith.constant 0 : i32
      %dma_start3A_16 = tpu.memref_slice %arg7[%scan3A_14, %dma_start3A] : memref<80x128xi32, #tpu.memory_space<vmem>> -> memref<1x128xi32, #tpu.memory_space<vmem>>
      %dma_start3A_17 = tpu.memref_squeeze %dma_start3A_16 : memref<1x128xi32, #tpu.memory_space<vmem>> -> memref<128xi32, #tpu.memory_space<vmem>>
      %dma_start3A_18 = arith.constant 0 : i32
      %dma_start3A_19 = arith.constant 0 : i32
      %dma_start3A_20 = tpu.memref_slice %arg2[%dma_start3A_18, %dma_start3A_19] : memref<10000x128xf32, #tpu.memory_space<hbm>> -> memref<10000x128xf32, #tpu.memory_space<hbm>>
      tpu.enqueue_indirect_dma source(%dma_start3A_20 : memref<10000x128xf32, #tpu.memory_space<hbm>>) target(%arg9 : memref<128x128xf32, #tpu.memory_space<vmem>>) offsets(%dma_start3A_17 : memref<128xi32, #tpu.memory_space<vmem>>) semaphore(%arg11 : memref<!tpu.dma_semaphore, #tpu.memory_space<semaphore_mem>>)
      %dma_wait3A = arith.constant 0 : i32
      %dma_wait3A_21 = tpu.memref_slice %arg7[%scan3A_14, %dma_wait3A] : memref<80x128xi32, #tpu.memory_space<vmem>> -> memref<1x128xi32, #tpu.memory_space<vmem>>
      %dma_wait3A_22 = tpu.memref_squeeze %dma_wait3A_21 : memref<1x128xi32, #tpu.memory_space<vmem>> -> memref<128xi32, #tpu.memory_space<vmem>>
      %dma_wait3A_23 = arith.constant 0 : i32
      %dma_wait3A_24 = arith.constant 0 : i32
      %dma_wait3A_25 = tpu.memref_slice %arg2[%dma_wait3A_23, %dma_wait3A_24] : memref<10000x128xf32, #tpu.memory_space<hbm>> -> memref<10000x128xf32, #tpu.memory_space<hbm>>
      tpu.wait_indirect_dma semaphore(%arg11 : memref<!tpu.dma_semaphore, #tpu.memory_space<semaphore_mem>>) src(%dma_wait3A_25 : memref<10000x128xf32, #tpu.memory_space<hbm>>) dst(%arg9 : memref<128x128xf32, #tpu.memory_space<vmem>>)
      "tpu.region"() ({
        %run_scoped3A = tpu.sem_alloc : memref<!tpu.dma_semaphore, #tpu.memory_space<semaphore_mem>>
        %dma_start3A_27 = arith.constant 0 : i32
        %dma_start3A_28 = tpu.memref_slice %arg8[%scan3A_14, %dma_start3A_27] : memref<80x128xi32, #tpu.memory_space<vmem>> -> memref<1x128xi32, #tpu.memory_space<vmem>>
        %dma_start3A_29 = tpu.memref_squeeze %dma_start3A_28 : memref<1x128xi32, #tpu.memory_space<vmem>> -> memref<128xi32, #tpu.memory_space<vmem>>
        %dma_start3A_30 = arith.constant 0 : i32
        %dma_start3A_31 = arith.constant 0 : i32
        %dma_start3A_32 = tpu.memref_slice %arg10[%dma_start3A_30, %dma_start3A_31] : memref<10112x128xf32, #tpu.memory_space<vmem_shared>> -> memref<10112x128xf32, #tpu.memory_space<vmem_shared>>
        tpu.enqueue_indirect_dma source(%arg9 : memref<128x128xf32, #tpu.memory_space<vmem>>) target(%dma_start3A_32 : memref<10112x128xf32, #tpu.memory_space<vmem_shared>>) offsets(%dma_start3A_29 : memref<128xi32, #tpu.memory_space<vmem>>) semaphore(%run_scoped3A : memref<!tpu.dma_semaphore, #tpu.memory_space<semaphore_mem>>) {add = true}
        %dma_wait3A_33 = arith.constant 0 : i32
        %dma_wait3A_34 = tpu.memref_slice %arg8[%scan3A_14, %dma_wait3A_33] : memref<80x128xi32, #tpu.memory_space<vmem>> -> memref<1x128xi32, #tpu.memory_space<vmem>>
        %dma_wait3A_35 = tpu.memref_squeeze %dma_wait3A_34 : memref<1x128xi32, #tpu.memory_space<vmem>> -> memref<128xi32, #tpu.memory_space<vmem>>
        %dma_wait3A_36 = arith.constant 0 : i32
        %dma_wait3A_37 = arith.constant 0 : i32
        %dma_wait3A_38 = tpu.memref_slice %arg10[%dma_wait3A_36, %dma_wait3A_37] : memref<10112x128xf32, #tpu.memory_space<vmem_shared>> -> memref<10112x128xf32, #tpu.memory_space<vmem_shared>>
        tpu.wait_indirect_dma semaphore(%run_scoped3A : memref<!tpu.dma_semaphore, #tpu.memory_space<semaphore_mem>>) src(%arg9 : memref<128x128xf32, #tpu.memory_space<vmem>>) dst(%dma_wait3A_38 : memref<10112x128xf32, #tpu.memory_space<vmem_shared>>)
        tpu.yield
      }) : () -> ()
      %scan3A_26 = arith.constant 0 : i32
      scf.yield %scan3A_26 : i32
    }
    %scan3A_8 = arith.constant 80 : i32
    %barrier3A_9 = arith.constant 0 : index
    tpu.barrier barrier_id(%barrier3A_9)
    %mul3A_10 = arith.constant 632 : i32
    %mul3A_11 = arith.muli %arg1, %mul3A_10 : i32
    %mul3A_12 = arith.constant 632 : i32
    %mul3A_13 = arith.muli %arg1, %mul3A_12 : i32
    "tpu.region"() ({
      %run_scoped3A = tpu.sem_alloc : memref<!tpu.dma_semaphore, #tpu.memory_space<semaphore_mem>>
      %dma_start3A = arith.constant 0 : i32
      %dma_start3A_14 = tpu.memref_slice %arg6[%arg0, %mul3A_13, %dma_start3A] : memref<2x10112x128xf32, #tpu.memory_space<hbm>> -> memref<1x632x128xf32, #tpu.memory_space<hbm>>
      %dma_start3A_15 = tpu.memref_squeeze %dma_start3A_14 : memref<1x632x128xf32, #tpu.memory_space<hbm>> -> memref<632x128xf32, #tpu.memory_space<hbm>>
      %dma_start3A_16 = arith.constant 0 : i32
      %dma_start3A_17 = tpu.memref_slice %arg10[%mul3A_11, %dma_start3A_16] : memref<10112x128xf32, #tpu.memory_space<vmem_shared>> -> memref<632x128xf32, #tpu.memory_space<vmem_shared>>
      tpu.enqueue_dma source(%dma_start3A_17 : memref<632x128xf32, #tpu.memory_space<vmem_shared>>) target(%dma_start3A_15 : memref<632x128xf32, #tpu.memory_space<hbm>>) target_semaphore(%run_scoped3A : memref<!tpu.dma_semaphore, #tpu.memory_space<semaphore_mem>>)
      %dma_wait3A = arith.constant 0 : i32
      %dma_wait3A_18 = tpu.memref_slice %arg6[%arg0, %mul3A_13, %dma_wait3A] : memref<2x10112x128xf32, #tpu.memory_space<hbm>> -> memref<1x632x128xf32, #tpu.memory_space<hbm>>
      %dma_wait3A_19 = tpu.memref_squeeze %dma_wait3A_18 : memref<1x632x128xf32, #tpu.memory_space<hbm>> -> memref<632x128xf32, #tpu.memory_space<hbm>>
      %dma_wait3A_20 = arith.constant 0 : i32
      %dma_wait3A_21 = tpu.memref_slice %arg10[%mul3A_11, %dma_wait3A_20] : memref<10112x128xf32, #tpu.memory_space<vmem_shared>> -> memref<632x128xf32, #tpu.memory_space<vmem_shared>>
      tpu.wait_dma2 semaphore(%run_scoped3A : memref<!tpu.dma_semaphore, #tpu.memory_space<semaphore_mem>>) src(%dma_wait3A_21 : memref<632x128xf32, #tpu.memory_space<vmem_shared>>) dst(%dma_wait3A_19 : memref<632x128xf32, #tpu.memory_space<hbm>>)
      tpu.yield
    }) : () -> ()
    return
  }
}

#map = affine_map<(d0, d1) -> (0, 0)>
#map1 = affine_map<(d0, d1) -> (0, 0, 0)>
module attributes {stable_mosaic.version = 14 : i64} {
  func.func @_segsum_body(%arg0: i32, %arg1: i32, %arg2: memref<10000x128xf32, #tpu.memory_space<hbm>>, %arg3: memref<32x80x128xi32, #tpu.memory_space<hbm>>, %arg4: memref<32x80x128xi32, #tpu.memory_space<hbm>>, %arg5: memref<632x128xf32, #tpu.memory_space<hbm>>, %arg6: memref<2x10112x128xf32, #tpu.memory_space<hbm>>, %arg7: memref<80x128xi32, #tpu.memory_space<vmem>>, %arg8: memref<80x128xi32, #tpu.memory_space<vmem>>, %arg9: memref<128x128xf32, #tpu.memory_space<vmem>>, %arg10: memref<10112x128xf32, #tpu.memory_space<vmem_shared>>, %arg11: memref<!tpu.dma_semaphore, #tpu.memory_space<semaphore_mem>>) attributes {dimension_semantics = [#tpu.dimension_semantics<core_parallel>, #tpu.dimension_semantics<subcore_parallel>], iteration_bounds = array<i64: 2, 16>, scalar_prefetch = 0 : i64, scratch_operands = 5 : i64, tpu.core_type = #tpu.core_type<sc_vector_subcore>, window_params = [{transform_indices = #map}, {transform_indices = #map1}, {transform_indices = #map1}, {transform_indices = #map}, {transform_indices = #map1}]} {
    %mul3A = arith.constant 16 : i32
    %mul3A_0 = arith.muli %arg0, %mul3A : i32
    %add3A = arith.addi %mul3A_0, %arg1 : i32
    "tpu.region"() ({
      %run_scoped3A = tpu.sem_alloc : memref<!tpu.dma_semaphore, #tpu.memory_space<semaphore_mem>>
      %dma_start3A = arith.constant 0 : i32
      %dma_start3A_14 = arith.constant 0 : i32
      %dma_start3A_15 = tpu.memref_slice %arg3[%add3A, %dma_start3A, %dma_start3A_14] : memref<32x80x128xi32, #tpu.memory_space<hbm>> -> memref<1x80x128xi32, #tpu.memory_space<hbm>>
      %dma_start3A_16 = tpu.memref_squeeze %dma_start3A_15 : memref<1x80x128xi32, #tpu.memory_space<hbm>> -> memref<80x128xi32, #tpu.memory_space<hbm>>
      %dma_start3A_17 = arith.constant 0 : i32
      %dma_start3A_18 = arith.constant 0 : i32
      %dma_start3A_19 = tpu.memref_slice %arg3[%add3A, %dma_start3A_17, %dma_start3A_18] : memref<32x80x128xi32, #tpu.memory_space<hbm>> -> memref<1x80x128xi32, #tpu.memory_space<hbm>>
      %dma_start3A_20 = tpu.memref_squeeze %dma_start3A_19 : memref<1x80x128xi32, #tpu.memory_space<hbm>> -> memref<80x128xi32, #tpu.memory_space<hbm>>
      tpu.enqueue_dma source(%dma_start3A_20 : memref<80x128xi32, #tpu.memory_space<hbm>>) target(%arg7 : memref<80x128xi32, #tpu.memory_space<vmem>>) target_semaphore(%run_scoped3A : memref<!tpu.dma_semaphore, #tpu.memory_space<semaphore_mem>>)
      %dma_wait3A = arith.constant 0 : i32
      %dma_wait3A_21 = arith.constant 0 : i32
      %dma_wait3A_22 = tpu.memref_slice %arg3[%add3A, %dma_wait3A, %dma_wait3A_21] : memref<32x80x128xi32, #tpu.memory_space<hbm>> -> memref<1x80x128xi32, #tpu.memory_space<hbm>>
      %dma_wait3A_23 = tpu.memref_squeeze %dma_wait3A_22 : memref<1x80x128xi32, #tpu.memory_space<hbm>> -> memref<80x128xi32, #tpu.memory_space<hbm>>
      %dma_wait3A_24 = arith.constant 0 : i32
      %dma_wait3A_25 = arith.constant 0 : i32
      %dma_wait3A_26 = tpu.memref_slice %arg3[%add3A, %dma_wait3A_24, %dma_wait3A_25] : memref<32x80x128xi32, #tpu.memory_space<hbm>> -> memref<1x80x128xi32, #tpu.memory_space<hbm>>
      %dma_wait3A_27 = tpu.memref_squeeze %dma_wait3A_26 : memref<1x80x128xi32, #tpu.memory_space<hbm>> -> memref<80x128xi32, #tpu.memory_space<hbm>>
      tpu.wait_dma2 semaphore(%run_scoped3A : memref<!tpu.dma_semaphore, #tpu.memory_space<semaphore_mem>>) src(%dma_wait3A_27 : memref<80x128xi32, #tpu.memory_space<hbm>>) dst(%arg7 : memref<80x128xi32, #tpu.memory_space<vmem>>)
      tpu.yield
    }) : () -> ()
    "tpu.region"() ({
      %run_scoped3A = tpu.sem_alloc : memref<!tpu.dma_semaphore, #tpu.memory_space<semaphore_mem>>
      %dma_start3A = arith.constant 0 : i32
      %dma_start3A_14 = arith.constant 0 : i32
      %dma_start3A_15 = tpu.memref_slice %arg4[%add3A, %dma_start3A, %dma_start3A_14] : memref<32x80x128xi32, #tpu.memory_space<hbm>> -> memref<1x80x128xi32, #tpu.memory_space<hbm>>
      %dma_start3A_16 = tpu.memref_squeeze %dma_start3A_15 : memref<1x80x128xi32, #tpu.memory_space<hbm>> -> memref<80x128xi32, #tpu.memory_space<hbm>>
      %dma_start3A_17 = arith.constant 0 : i32
      %dma_start3A_18 = arith.constant 0 : i32
      %dma_start3A_19 = tpu.memref_slice %arg4[%add3A, %dma_start3A_17, %dma_start3A_18] : memref<32x80x128xi32, #tpu.memory_space<hbm>> -> memref<1x80x128xi32, #tpu.memory_space<hbm>>
      %dma_start3A_20 = tpu.memref_squeeze %dma_start3A_19 : memref<1x80x128xi32, #tpu.memory_space<hbm>> -> memref<80x128xi32, #tpu.memory_space<hbm>>
      tpu.enqueue_dma source(%dma_start3A_20 : memref<80x128xi32, #tpu.memory_space<hbm>>) target(%arg8 : memref<80x128xi32, #tpu.memory_space<vmem>>) target_semaphore(%run_scoped3A : memref<!tpu.dma_semaphore, #tpu.memory_space<semaphore_mem>>)
      %dma_wait3A = arith.constant 0 : i32
      %dma_wait3A_21 = arith.constant 0 : i32
      %dma_wait3A_22 = tpu.memref_slice %arg4[%add3A, %dma_wait3A, %dma_wait3A_21] : memref<32x80x128xi32, #tpu.memory_space<hbm>> -> memref<1x80x128xi32, #tpu.memory_space<hbm>>
      %dma_wait3A_23 = tpu.memref_squeeze %dma_wait3A_22 : memref<1x80x128xi32, #tpu.memory_space<hbm>> -> memref<80x128xi32, #tpu.memory_space<hbm>>
      %dma_wait3A_24 = arith.constant 0 : i32
      %dma_wait3A_25 = arith.constant 0 : i32
      %dma_wait3A_26 = tpu.memref_slice %arg4[%add3A, %dma_wait3A_24, %dma_wait3A_25] : memref<32x80x128xi32, #tpu.memory_space<hbm>> -> memref<1x80x128xi32, #tpu.memory_space<hbm>>
      %dma_wait3A_27 = tpu.memref_squeeze %dma_wait3A_26 : memref<1x80x128xi32, #tpu.memory_space<hbm>> -> memref<80x128xi32, #tpu.memory_space<hbm>>
      tpu.wait_dma2 semaphore(%run_scoped3A : memref<!tpu.dma_semaphore, #tpu.memory_space<semaphore_mem>>) src(%dma_wait3A_27 : memref<80x128xi32, #tpu.memory_space<hbm>>) dst(%arg8 : memref<80x128xi32, #tpu.memory_space<vmem>>)
      tpu.yield
    }) : () -> ()
    %mul3A_1 = arith.constant 632 : i32
    %mul3A_2 = arith.muli %arg1, %mul3A_1 : i32
    "tpu.region"() ({
      %run_scoped3A = tpu.sem_alloc : memref<!tpu.dma_semaphore, #tpu.memory_space<semaphore_mem>>
      %dma_start3A = arith.constant 0 : i32
      %dma_start3A_14 = tpu.memref_slice %arg10[%mul3A_2, %dma_start3A] : memref<10112x128xf32, #tpu.memory_space<vmem_shared>> -> memref<632x128xf32, #tpu.memory_space<vmem_shared>>
      tpu.enqueue_dma source(%arg5 : memref<632x128xf32, #tpu.memory_space<hbm>>) target(%dma_start3A_14 : memref<632x128xf32, #tpu.memory_space<vmem_shared>>) target_semaphore(%run_scoped3A : memref<!tpu.dma_semaphore, #tpu.memory_space<semaphore_mem>>)
      %dma_wait3A = arith.constant 0 : i32
      %dma_wait3A_15 = tpu.memref_slice %arg10[%mul3A_2, %dma_wait3A] : memref<10112x128xf32, #tpu.memory_space<vmem_shared>> -> memref<632x128xf32, #tpu.memory_space<vmem_shared>>
      tpu.wait_dma2 semaphore(%run_scoped3A : memref<!tpu.dma_semaphore, #tpu.memory_space<semaphore_mem>>) src(%arg5 : memref<632x128xf32, #tpu.memory_space<hbm>>) dst(%dma_wait3A_15 : memref<632x128xf32, #tpu.memory_space<vmem_shared>>)
      tpu.yield
    }) : () -> ()
    %barrier3A = arith.constant 0 : index
    tpu.barrier barrier_id(%barrier3A)
    %scan3A = arith.constant 0 : i32
    %scan3A_3 = arith.constant 0 : i32
    %scan3A_4 = arith.constant 80 : i32
    %scan3A_5 = arith.addi %scan3A_3, %scan3A_4 : i32
    %scan3A_6 = arith.constant 1 : i32
    %scan3A_7 = scf.for %scan3A_14 = %scan3A_3 to %scan3A_5 step %scan3A_6 iter_args(%scan3A_15 = %scan3A) -> (i32)  : i32 {
      %dma_start3A = arith.constant 0 : i32
      %dma_start3A_16 = tpu.memref_slice %arg7[%scan3A_14, %dma_start3A] : memref<80x128xi32, #tpu.memory_space<vmem>> -> memref<1x128xi32, #tpu.memory_space<vmem>>
      %dma_start3A_17 = tpu.memref_squeeze %dma_start3A_16 : memref<1x128xi32, #tpu.memory_space<vmem>> -> memref<128xi32, #tpu.memory_space<vmem>>
      %dma_start3A_18 = arith.constant 0 : i32
      %dma_start3A_19 = arith.constant 0 : i32
      %dma_start3A_20 = tpu.memref_slice %arg2[%dma_start3A_18, %dma_start3A_19] : memref<10000x128xf32, #tpu.memory_space<hbm>> -> memref<10000x128xf32, #tpu.memory_space<hbm>>
      tpu.enqueue_indirect_dma source(%dma_start3A_20 : memref<10000x128xf32, #tpu.memory_space<hbm>>) target(%arg9 : memref<128x128xf32, #tpu.memory_space<vmem>>) offsets(%dma_start3A_17 : memref<128xi32, #tpu.memory_space<vmem>>) semaphore(%arg11 : memref<!tpu.dma_semaphore, #tpu.memory_space<semaphore_mem>>)
      %dma_wait3A = arith.constant 0 : i32
      %dma_wait3A_21 = tpu.memref_slice %arg7[%scan3A_14, %dma_wait3A] : memref<80x128xi32, #tpu.memory_space<vmem>> -> memref<1x128xi32, #tpu.memory_space<vmem>>
      %dma_wait3A_22 = tpu.memref_squeeze %dma_wait3A_21 : memref<1x128xi32, #tpu.memory_space<vmem>> -> memref<128xi32, #tpu.memory_space<vmem>>
      %dma_wait3A_23 = arith.constant 0 : i32
      %dma_wait3A_24 = arith.constant 0 : i32
      %dma_wait3A_25 = tpu.memref_slice %arg2[%dma_wait3A_23, %dma_wait3A_24] : memref<10000x128xf32, #tpu.memory_space<hbm>> -> memref<10000x128xf32, #tpu.memory_space<hbm>>
      tpu.wait_indirect_dma semaphore(%arg11 : memref<!tpu.dma_semaphore, #tpu.memory_space<semaphore_mem>>) src(%dma_wait3A_25 : memref<10000x128xf32, #tpu.memory_space<hbm>>) dst(%arg9 : memref<128x128xf32, #tpu.memory_space<vmem>>)
      "tpu.region"() ({
        %run_scoped3A = tpu.sem_alloc : memref<!tpu.dma_semaphore, #tpu.memory_space<semaphore_mem>>
        %dma_start3A_27 = arith.constant 0 : i32
        %dma_start3A_28 = tpu.memref_slice %arg8[%scan3A_14, %dma_start3A_27] : memref<80x128xi32, #tpu.memory_space<vmem>> -> memref<1x128xi32, #tpu.memory_space<vmem>>
        %dma_start3A_29 = tpu.memref_squeeze %dma_start3A_28 : memref<1x128xi32, #tpu.memory_space<vmem>> -> memref<128xi32, #tpu.memory_space<vmem>>
        %dma_start3A_30 = arith.constant 0 : i32
        %dma_start3A_31 = arith.constant 0 : i32
        %dma_start3A_32 = tpu.memref_slice %arg10[%dma_start3A_30, %dma_start3A_31] : memref<10112x128xf32, #tpu.memory_space<vmem_shared>> -> memref<10112x128xf32, #tpu.memory_space<vmem_shared>>
        tpu.enqueue_indirect_dma source(%arg9 : memref<128x128xf32, #tpu.memory_space<vmem>>) target(%dma_start3A_32 : memref<10112x128xf32, #tpu.memory_space<vmem_shared>>) offsets(%dma_start3A_29 : memref<128xi32, #tpu.memory_space<vmem>>) semaphore(%run_scoped3A : memref<!tpu.dma_semaphore, #tpu.memory_space<semaphore_mem>>) {add = true}
        %dma_wait3A_33 = arith.constant 0 : i32
        %dma_wait3A_34 = tpu.memref_slice %arg8[%scan3A_14, %dma_wait3A_33] : memref<80x128xi32, #tpu.memory_space<vmem>> -> memref<1x128xi32, #tpu.memory_space<vmem>>
        %dma_wait3A_35 = tpu.memref_squeeze %dma_wait3A_34 : memref<1x128xi32, #tpu.memory_space<vmem>> -> memref<128xi32, #tpu.memory_space<vmem>>
        %dma_wait3A_36 = arith.constant 0 : i32
        %dma_wait3A_37 = arith.constant 0 : i32
        %dma_wait3A_38 = tpu.memref_slice %arg10[%dma_wait3A_36, %dma_wait3A_37] : memref<10112x128xf32, #tpu.memory_space<vmem_shared>> -> memref<10112x128xf32, #tpu.memory_space<vmem_shared>>
        tpu.wait_indirect_dma semaphore(%run_scoped3A : memref<!tpu.dma_semaphore, #tpu.memory_space<semaphore_mem>>) src(%arg9 : memref<128x128xf32, #tpu.memory_space<vmem>>) dst(%dma_wait3A_38 : memref<10112x128xf32, #tpu.memory_space<vmem_shared>>)
        tpu.yield
      }) : () -> ()
      %scan3A_26 = arith.constant 0 : i32
      scf.yield %scan3A_26 : i32
    }
    %scan3A_8 = arith.constant 80 : i32
    %barrier3A_9 = arith.constant 0 : index
    tpu.barrier barrier_id(%barrier3A_9)
    %mul3A_10 = arith.constant 632 : i32
    %mul3A_11 = arith.muli %arg1, %mul3A_10 : i32
    %mul3A_12 = arith.constant 632 : i32
    %mul3A_13 = arith.muli %arg1, %mul3A_12 : i32
    "tpu.region"() ({
      %run_scoped3A = tpu.sem_alloc : memref<!tpu.dma_semaphore, #tpu.memory_space<semaphore_mem>>
      %dma_start3A = arith.constant 0 : i32
      %dma_start3A_14 = tpu.memref_slice %arg6[%arg0, %mul3A_13, %dma_start3A] : memref<2x10112x128xf32, #tpu.memory_space<hbm>> -> memref<1x632x128xf32, #tpu.memory_space<hbm>>
      %dma_start3A_15 = tpu.memref_squeeze %dma_start3A_14 : memref<1x632x128xf32, #tpu.memory_space<hbm>> -> memref<632x128xf32, #tpu.memory_space<hbm>>
      %dma_start3A_16 = arith.constant 0 : i32
      %dma_start3A_17 = tpu.memref_slice %arg10[%mul3A_11, %dma_start3A_16] : memref<10112x128xf32, #tpu.memory_space<vmem_shared>> -> memref<632x128xf32, #tpu.memory_space<vmem_shared>>
      tpu.enqueue_dma source(%dma_start3A_17 : memref<632x128xf32, #tpu.memory_space<vmem_shared>>) target(%dma_start3A_15 : memref<632x128xf32, #tpu.memory_space<hbm>>) target_semaphore(%run_scoped3A : memref<!tpu.dma_semaphore, #tpu.memory_space<semaphore_mem>>)
      %dma_wait3A = arith.constant 0 : i32
      %dma_wait3A_18 = tpu.memref_slice %arg6[%arg0, %mul3A_13, %dma_wait3A] : memref<2x10112x128xf32, #tpu.memory_space<hbm>> -> memref<1x632x128xf32, #tpu.memory_space<hbm>>
      %dma_wait3A_19 = tpu.memref_squeeze %dma_wait3A_18 : memref<1x632x128xf32, #tpu.memory_space<hbm>> -> memref<632x128xf32, #tpu.memory_space<hbm>>
      %dma_wait3A_20 = arith.constant 0 : i32
      %dma_wait3A_21 = tpu.memref_slice %arg10[%mul3A_11, %dma_wait3A_20] : memref<10112x128xf32, #tpu.memory_space<vmem_shared>> -> memref<632x128xf32, #tpu.memory_space<vmem_shared>>
      tpu.wait_dma2 semaphore(%run_scoped3A : memref<!tpu.dma_semaphore, #tpu.memory_space<semaphore_mem>>) src(%dma_wait3A_21 : memref<632x128xf32, #tpu.memory_space<vmem_shared>>) dst(%dma_wait3A_19 : memref<632x128xf32, #tpu.memory_space<hbm>>)
      tpu.yield
    }) : () -> ()
    return
  }
}

module attributes {stable_mosaic.version = 14 : i64} {
  func.func @_node_mlp_body(%arg0: i32, %arg1: memref<1x1xf32, #tpu.memory_space<vmem>>, %arg2: memref<1x32xf32, #tpu.memory_space<vmem>>, %arg3: memref<1x32xf32, #tpu.memory_space<vmem>>, %arg4: memref<32x32xf32, #tpu.memory_space<vmem>>, %arg5: memref<1x32xf32, #tpu.memory_space<vmem>>, %arg6: memref<1000x128xf32, #tpu.memory_space<vmem>>, %arg7: memref<128x128xf32, #tpu.memory_space<vmem>>, %arg8: memref<1x128xf32, #tpu.memory_space<vmem>>, %arg9: memref<128x128xf32, #tpu.memory_space<vmem>>, %arg10: memref<1x128xf32, #tpu.memory_space<vmem>>, %arg11: memref<1000x128xf32, #tpu.memory_space<vmem>>, %arg12: memref<1x32xf32, #tpu.memory_space<vmem>>) attributes {dimension_semantics = [#tpu.dimension_semantics<arbitrary>], iteration_bounds = array<i64: 10>, scalar_prefetch = 0 : i64, scratch_operands = 0 : i64, tpu.core_type = #tpu.core_type<tc>, window_params = [{pipeline_mode = #tpu.pipeline_mode<synchronous>, transform_indices = @transform_0, window_bounds = array<i64: 1, 1>}, {pipeline_mode = #tpu.pipeline_mode<synchronous>, transform_indices = @transform_1, window_bounds = array<i64: 1, 32>}, {pipeline_mode = #tpu.pipeline_mode<synchronous>, transform_indices = @transform_2, window_bounds = array<i64: 1, 32>}, {pipeline_mode = #tpu.pipeline_mode<synchronous>, transform_indices = @transform_3, window_bounds = array<i64: 32, 32>}, {pipeline_mode = #tpu.pipeline_mode<synchronous>, transform_indices = @transform_4, window_bounds = array<i64: 1, 32>}, {transform_indices = @transform_5, window_bounds = array<i64: 1000, 128>}, {pipeline_mode = #tpu.pipeline_mode<synchronous>, transform_indices = @transform_6, window_bounds = array<i64: 128, 128>}, {pipeline_mode = #tpu.pipeline_mode<synchronous>, transform_indices = @transform_7, window_bounds = array<i64: 1, 128>}, {pipeline_mode = #tpu.pipeline_mode<synchronous>, transform_indices = @transform_8, window_bounds = array<i64: 128, 128>}, {pipeline_mode = #tpu.pipeline_mode<synchronous>, transform_indices = @transform_9, window_bounds = array<i64: 1, 128>}, {transform_indices = @transform_10, window_bounds = array<i64: 1000, 128>}, {pipeline_mode = #tpu.pipeline_mode<synchronous>, transform_indices = @transform_11, window_bounds = array<i64: 1, 32>}]} {
    %get3A = arith.constant 0 : index
    %get3A_0 = arith.constant 0 : index
    %get3A_1 = vector.load %arg1[%get3A, %get3A_0] : memref<1x1xf32, #tpu.memory_space<vmem>>, vector<1x1xf32>
    %get3A_2 = vector.extract %get3A_1[0, 0] : f32 from vector<1x1xf32>
    %get3A_3 = arith.constant 0 : index
    %get3A_4 = arith.constant 0 : index
    %get3A_5 = vector.load %arg2[%get3A_3, %get3A_4] : memref<1x32xf32, #tpu.memory_space<vmem>>, vector<1x32xf32>
    %mul3A = vector.broadcast %get3A_2 : f32 to vector<1x32xf32>
    %mul3A_6 = arith.mulf %mul3A, %get3A_5 : vector<1x32xf32>
    %get3A_7 = arith.constant 0 : index
    %get3A_8 = arith.constant 0 : index
    %get3A_9 = vector.load %arg3[%get3A_7, %get3A_8] : memref<1x32xf32, #tpu.memory_space<vmem>>, vector<1x32xf32>
    %add3A = arith.addf %mul3A_6, %get3A_9 : vector<1x32xf32>
    %max3A = arith.constant 0.000000e+00 : f32
    %max3A_10 = vector.broadcast %max3A : f32 to vector<1x32xf32>
    %max3A_11 = arith.maximumf %add3A, %max3A_10 : vector<1x32xf32>
    %get3A_12 = arith.constant 0 : index
    %get3A_13 = arith.constant 0 : index
    %get3A_14 = vector.load %arg4[%get3A_12, %get3A_13] : memref<32x32xf32, #tpu.memory_space<vmem>>, vector<32x32xf32>
    %dot_general3A = arith.constant dense<0.000000e+00> : vector<1x32xf32>
    %dot_general3A_15 = tpu.matmul %max3A_11, %get3A_14, %dot_general3A {dimension_numbers = #tpu.dot_dimension_numbers<[1], [0], [0], [1], [0, 0, 1, 1], [], []>, transpose_lhs_hint = false} : vector<1x32xf32>, vector<32x32xf32>, vector<1x32xf32> -> vector<1x32xf32>
    %get3A_16 = arith.constant 0 : index
    %get3A_17 = arith.constant 0 : index
    %get3A_18 = vector.load %arg5[%get3A_16, %get3A_17] : memref<1x32xf32, #tpu.memory_space<vmem>>, vector<1x32xf32>
    %add3A_19 = arith.addf %dot_general3A_15, %get3A_18 : vector<1x32xf32>
    %max3A_20 = arith.constant 0.000000e+00 : f32
    %max3A_21 = vector.broadcast %max3A_20 : f32 to vector<1x32xf32>
    %max3A_22 = arith.maximumf %add3A_19, %max3A_21 : vector<1x32xf32>
    %swap3A = arith.constant 0 : index
    %swap3A_23 = arith.constant 0 : index
    %swap3A_24 = vector.load %arg12[%swap3A, %swap3A_23] : memref<1x32xf32, #tpu.memory_space<vmem>>, vector<1x32xf32>
    tpu.vector_store %arg12[%swap3A, %swap3A_23], %max3A_22 {strides = array<i32>} : memref<1x32xf32, #tpu.memory_space<vmem>>, vector<1x32xf32>,
    %get3A_25 = arith.constant 0 : index
    %get3A_26 = arith.constant 0 : index
    %get3A_27 = vector.load %arg6[%get3A_25, %get3A_26] : memref<1000x128xf32, #tpu.memory_space<vmem>>, vector<1000x128xf32>
    %get3A_28 = arith.constant 0 : index
    %get3A_29 = arith.constant 0 : index
    %get3A_30 = vector.load %arg7[%get3A_28, %get3A_29] : memref<128x128xf32, #tpu.memory_space<vmem>>, vector<128x128xf32>
    %dot_general3A_31 = arith.constant dense<0.000000e+00> : vector<1000x128xf32>
    %dot_general3A_32 = tpu.matmul %get3A_27, %get3A_30, %dot_general3A_31 {dimension_numbers = #tpu.dot_dimension_numbers<[1], [0], [0], [1], [0, 0, 1, 1], [], []>, transpose_lhs_hint = false} : vector<1000x128xf32>, vector<128x128xf32>, vector<1000x128xf32> -> vector<1000x128xf32>
    %get3A_33 = arith.constant 0 : index
    %get3A_34 = arith.constant 0 : index
    %get3A_35 = vector.load %arg8[%get3A_33, %get3A_34] : memref<1x128xf32, #tpu.memory_space<vmem>>, vector<1x128xf32>
    %add3A_36 = vector.broadcast %get3A_35 : vector<1x128xf32> to vector<1000x128xf32>
    %add3A_37 = arith.addf %dot_general3A_32, %add3A_36 : vector<1000x128xf32>
    %max3A_38 = arith.constant 0.000000e+00 : f32
    %max3A_39 = vector.broadcast %max3A_38 : f32 to vector<1000x128xf32>
    %max3A_40 = arith.maximumf %add3A_37, %max3A_39 : vector<1000x128xf32>
    %get3A_41 = arith.constant 0 : index
    %get3A_42 = arith.constant 0 : index
    %get3A_43 = vector.load %arg9[%get3A_41, %get3A_42] : memref<128x128xf32, #tpu.memory_space<vmem>>, vector<128x128xf32>
    %dot_general3A_44 = arith.constant dense<0.000000e+00> : vector<1000x128xf32>
    %dot_general3A_45 = tpu.matmul %max3A_40, %get3A_43, %dot_general3A_44 {dimension_numbers = #tpu.dot_dimension_numbers<[1], [0], [0], [1], [0, 0, 1, 1], [], []>, transpose_lhs_hint = false} : vector<1000x128xf32>, vector<128x128xf32>, vector<1000x128xf32> -> vector<1000x128xf32>
    %get3A_46 = arith.constant 0 : index
    %get3A_47 = arith.constant 0 : index
    %get3A_48 = vector.load %arg10[%get3A_46, %get3A_47] : memref<1x128xf32, #tpu.memory_space<vmem>>, vector<1x128xf32>
    %add3A_49 = vector.broadcast %get3A_48 : vector<1x128xf32> to vector<1000x128xf32>
    %add3A_50 = arith.addf %dot_general3A_45, %add3A_49 : vector<1000x128xf32>
    %max3A_51 = arith.constant 0.000000e+00 : f32
    %max3A_52 = vector.broadcast %max3A_51 : f32 to vector<1000x128xf32>
    %max3A_53 = arith.maximumf %add3A_50, %max3A_52 : vector<1000x128xf32>
    %swap3A_54 = arith.constant 0 : index
    %swap3A_55 = arith.constant 0 : index
    %swap3A_56 = vector.load %arg11[%swap3A_54, %swap3A_55] : memref<1000x128xf32, #tpu.memory_space<vmem>>, vector<1000x128xf32>
    tpu.vector_store %arg11[%swap3A_54, %swap3A_55], %max3A_53 {strides = array<i32>} : memref<1000x128xf32, #tpu.memory_space<vmem>>, vector<1000x128xf32>,
    return
  }
  func.func @transform_0(%arg0: i32) -> (i32, i32) {
    %c0_i32 = arith.constant 0 : i32
    %c0_i32_0 = arith.constant 0 : i32
    %c0_i32_1 = arith.constant 0 : i32
    return %c0_i32, %c0_i32_0 : i32, i32
  }
  func.func @transform_1(%arg0: i32) -> (i32, i32) {
    %c0_i32 = arith.constant 0 : i32
    %c0_i32_0 = arith.constant 0 : i32
    %c0_i32_1 = arith.constant 0 : i32
    return %c0_i32, %c0_i32_0 : i32, i32
  }
  func.func @transform_2(%arg0: i32) -> (i32, i32) {
    %c0_i32 = arith.constant 0 : i32
    %c0_i32_0 = arith.constant 0 : i32
    %c0_i32_1 = arith.constant 0 : i32
    return %c0_i32, %c0_i32_0 : i32, i32
  }
  func.func @transform_3(%arg0: i32) -> (i32, i32) {
    %c0_i32 = arith.constant 0 : i32
    %c0_i32_0 = arith.constant 0 : i32
    %c0_i32_1 = arith.constant 0 : i32
    return %c0_i32, %c0_i32_0 : i32, i32
  }
  func.func @transform_4(%arg0: i32) -> (i32, i32) {
    %c0_i32 = arith.constant 0 : i32
    %c0_i32_0 = arith.constant 0 : i32
    %c0_i32_1 = arith.constant 0 : i32
    return %c0_i32, %c0_i32_0 : i32, i32
  }
  func.func @transform_5(%arg0: i32) -> (i32, i32) {
    %c0_i32 = arith.constant 0 : i32
    %c0_i32_0 = arith.constant 0 : i32
    return %arg0, %c0_i32 : i32, i32
  }
  func.func @transform_6(%arg0: i32) -> (i32, i32) {
    %c0_i32 = arith.constant 0 : i32
    %c0_i32_0 = arith.constant 0 : i32
    %c0_i32_1 = arith.constant 0 : i32
    return %c0_i32, %c0_i32_0 : i32, i32
  }
  func.func @transform_7(%arg0: i32) -> (i32, i32) {
    %c0_i32 = arith.constant 0 : i32
    %c0_i32_0 = arith.constant 0 : i32
    %c0_i32_1 = arith.constant 0 : i32
    return %c0_i32, %c0_i32_0 : i32, i32
  }
  func.func @transform_8(%arg0: i32) -> (i32, i32) {
    %c0_i32 = arith.constant 0 : i32
    %c0_i32_0 = arith.constant 0 : i32
    %c0_i32_1 = arith.constant 0 : i32
    return %c0_i32, %c0_i32_0 : i32, i32
  }
  func.func @transform_9(%arg0: i32) -> (i32, i32) {
    %c0_i32 = arith.constant 0 : i32
    %c0_i32_0 = arith.constant 0 : i32
    %c0_i32_1 = arith.constant 0 : i32
    return %c0_i32, %c0_i32_0 : i32, i32
  }
  func.func @transform_10(%arg0: i32) -> (i32, i32) {
    %c0_i32 = arith.constant 0 : i32
    %c0_i32_0 = arith.constant 0 : i32
    return %arg0, %c0_i32 : i32, i32
  }
  func.func @transform_11(%arg0: i32) -> (i32, i32) {
    %c0_i32 = arith.constant 0 : i32
    %c0_i32_0 = arith.constant 0 : i32
    %c0_i32_1 = arith.constant 0 : i32
    return %c0_i32, %c0_i32_0 : i32, i32
  }
}

module attributes {stable_mosaic.version = 14 : i64} {
  func.func @_layer_body(%arg0: i32, %arg1: memref<2x1000x128xf32, #tpu.memory_space<vmem>>, %arg2: memref<1x32xf32, #tpu.memory_space<vmem>>, %arg3: memref<128x128xf32, #tpu.memory_space<vmem>>, %arg4: memref<32x128xf32, #tpu.memory_space<vmem>>, %arg5: memref<1x128xf32, #tpu.memory_space<vmem>>, %arg6: memref<1x128xf32, #tpu.memory_space<vmem>>, %arg7: memref<1x128xf32, #tpu.memory_space<vmem>>, %arg8: memref<1000x128xf32, #tpu.memory_space<vmem>>) attributes {dimension_semantics = [#tpu.dimension_semantics<arbitrary>], iteration_bounds = array<i64: 10>, scalar_prefetch = 0 : i64, scratch_operands = 0 : i64, tpu.core_type = #tpu.core_type<tc>, window_params = [{transform_indices = @transform_0, window_bounds = array<i64: 2, 1000, 128>}, {pipeline_mode = #tpu.pipeline_mode<synchronous>, transform_indices = @transform_1, window_bounds = array<i64: 1, 32>}, {pipeline_mode = #tpu.pipeline_mode<synchronous>, transform_indices = @transform_2, window_bounds = array<i64: 128, 128>}, {pipeline_mode = #tpu.pipeline_mode<synchronous>, transform_indices = @transform_3, window_bounds = array<i64: 32, 128>}, {pipeline_mode = #tpu.pipeline_mode<synchronous>, transform_indices = @transform_4, window_bounds = array<i64: 1, 128>}, {pipeline_mode = #tpu.pipeline_mode<synchronous>, transform_indices = @transform_5, window_bounds = array<i64: 1, 128>}, {pipeline_mode = #tpu.pipeline_mode<synchronous>, transform_indices = @transform_6, window_bounds = array<i64: 1, 128>}, {transform_indices = @transform_7, window_bounds = array<i64: 1000, 128>}]} {
    %get3A = arith.constant 0 : index
    %get3A_0 = arith.constant 0 : index
    %get3A_1 = arith.constant 0 : index
    %get3A_2 = vector.load %arg1[%get3A, %get3A_0, %get3A_1] : memref<2x1000x128xf32, #tpu.memory_space<vmem>>, vector<1x1000x128xf32>
    %get3A_3 = vector.shape_cast %get3A_2 : vector<1x1000x128xf32> to vector<1000x128xf32>
    %get3A_4 = arith.constant 1 : index
    %get3A_5 = arith.constant 0 : index
    %get3A_6 = arith.constant 0 : index
    %get3A_7 = vector.load %arg1[%get3A_4, %get3A_5, %get3A_6] : memref<2x1000x128xf32, #tpu.memory_space<vmem>>, vector<1x1000x128xf32>
    %get3A_8 = vector.shape_cast %get3A_7 : vector<1x1000x128xf32> to vector<1000x128xf32>
    %add3A = arith.addf %get3A_3, %get3A_8 : vector<1000x128xf32>
    %get3A_9 = arith.constant 0 : index
    %get3A_10 = arith.constant 0 : index
    %get3A_11 = vector.load %arg2[%get3A_9, %get3A_10] : memref<1x32xf32, #tpu.memory_space<vmem>>, vector<1x32xf32>
    %get3A_12 = arith.constant 0 : index
    %get3A_13 = arith.constant 0 : index
    %get3A_14 = vector.load %arg4[%get3A_12, %get3A_13] : memref<32x128xf32, #tpu.memory_space<vmem>>, vector<32x128xf32>
    %dot_general3A = arith.constant dense<0.000000e+00> : vector<1x128xf32>
    %dot_general3A_15 = tpu.matmul %get3A_11, %get3A_14, %dot_general3A {dimension_numbers = #tpu.dot_dimension_numbers<[1], [0], [0], [1], [0, 0, 1, 1], [], []>, transpose_lhs_hint = false} : vector<1x32xf32>, vector<32x128xf32>, vector<1x128xf32> -> vector<1x128xf32>
    %get3A_16 = arith.constant 0 : index
    %get3A_17 = arith.constant 0 : index
    %get3A_18 = vector.load %arg3[%get3A_16, %get3A_17] : memref<128x128xf32, #tpu.memory_space<vmem>>, vector<128x128xf32>
    %dot_general3A_19 = arith.constant dense<0.000000e+00> : vector<1000x128xf32>
    %dot_general3A_20 = tpu.matmul %add3A, %get3A_18, %dot_general3A_19 {dimension_numbers = #tpu.dot_dimension_numbers<[1], [0], [0], [1], [0, 0, 1, 1], [], []>, transpose_lhs_hint = false} : vector<1000x128xf32>, vector<128x128xf32>, vector<1000x128xf32> -> vector<1000x128xf32>
    %add3A_21 = vector.broadcast %dot_general3A_15 : vector<1x128xf32> to vector<1000x128xf32>
    %add3A_22 = arith.addf %dot_general3A_20, %add3A_21 : vector<1000x128xf32>
    %get3A_23 = arith.constant 0 : index
    %get3A_24 = arith.constant 0 : index
    %get3A_25 = vector.load %arg5[%get3A_23, %get3A_24] : memref<1x128xf32, #tpu.memory_space<vmem>>, vector<1x128xf32>
    %add3A_26 = vector.broadcast %get3A_25 : vector<1x128xf32> to vector<1000x128xf32>
    %add3A_27 = arith.addf %add3A_22, %add3A_26 : vector<1000x128xf32>
    %max3A = arith.constant 0.000000e+00 : f32
    %max3A_28 = vector.broadcast %max3A : f32 to vector<1000x128xf32>
    %max3A_29 = arith.maximumf %add3A_27, %max3A_28 : vector<1000x128xf32>
    %reduce_sum3A = arith.constant dense<0.000000e+00> : vector<1000xf32>
    %reduce_sum3A_30 = vector.multi_reduction <add>, %max3A_29, %reduce_sum3A [1] : vector<1000x128xf32> to vector<1000xf32>
    %broadcast_in_dim3A = vector.shape_cast %reduce_sum3A_30 : vector<1000xf32> to vector<1000x1xf32>
    %div3A = arith.constant 1.280000e+02 : f32
    %div3A_31 = vector.broadcast %div3A : f32 to vector<1000x1xf32>
    %div3A_32 = arith.divf %broadcast_in_dim3A, %div3A_31 : vector<1000x1xf32>
    %sub3A = vector.broadcast %div3A_32 : vector<1000x1xf32> to vector<1000x128xf32>
    %sub3A_33 = arith.subf %max3A_29, %sub3A : vector<1000x128xf32>
    %mul3A = arith.mulf %sub3A_33, %sub3A_33 : vector<1000x128xf32>
    %reduce_sum3A_34 = arith.constant dense<0.000000e+00> : vector<1000xf32>
    %reduce_sum3A_35 = vector.multi_reduction <add>, %mul3A, %reduce_sum3A_34 [1] : vector<1000x128xf32> to vector<1000xf32>
    %broadcast_in_dim3A_36 = vector.shape_cast %reduce_sum3A_35 : vector<1000xf32> to vector<1000x1xf32>
    %div3A_37 = arith.constant 1.280000e+02 : f32
    %div3A_38 = vector.broadcast %div3A_37 : f32 to vector<1000x1xf32>
    %div3A_39 = arith.divf %broadcast_in_dim3A_36, %div3A_38 : vector<1000x1xf32>
    %add3A_40 = arith.constant 9.99999974E-6 : f32
    %add3A_41 = vector.broadcast %add3A_40 : f32 to vector<1000x1xf32>
    %add3A_42 = arith.addf %div3A_39, %add3A_41 : vector<1000x1xf32>
    %rsqrt3A = math.rsqrt %add3A_42 : vector<1000x1xf32>
    %mul3A_43 = vector.broadcast %rsqrt3A : vector<1000x1xf32> to vector<1000x128xf32>
    %mul3A_44 = arith.mulf %sub3A_33, %mul3A_43 : vector<1000x128xf32>
    %get3A_45 = arith.constant 0 : index
    %get3A_46 = arith.constant 0 : index
    %get3A_47 = vector.load %arg6[%get3A_45, %get3A_46] : memref<1x128xf32, #tpu.memory_space<vmem>>, vector<1x128xf32>
    %mul3A_48 = vector.broadcast %get3A_47 : vector<1x128xf32> to vector<1000x128xf32>
    %mul3A_49 = arith.mulf %mul3A_44, %mul3A_48 : vector<1000x128xf32>
    %get3A_50 = arith.constant 0 : index
    %get3A_51 = arith.constant 0 : index
    %get3A_52 = vector.load %arg7[%get3A_50, %get3A_51] : memref<1x128xf32, #tpu.memory_space<vmem>>, vector<1x128xf32>
    %add3A_53 = vector.broadcast %get3A_52 : vector<1x128xf32> to vector<1000x128xf32>
    %add3A_54 = arith.addf %mul3A_49, %add3A_53 : vector<1000x128xf32>
    %swap3A = arith.constant 0 : index
    %swap3A_55 = arith.constant 0 : index
    %swap3A_56 = vector.load %arg8[%swap3A, %swap3A_55] : memref<1000x128xf32, #tpu.memory_space<vmem>>, vector<1000x128xf32>
    tpu.vector_store %arg8[%swap3A, %swap3A_55], %add3A_54 {strides = array<i32>} : memref<1000x128xf32, #tpu.memory_space<vmem>>, vector<1000x128xf32>,
    return
  }
  func.func @transform_0(%arg0: i32) -> (i32, i32, i32) {
    %c0_i32 = arith.constant 0 : i32
    %c0_i32_0 = arith.constant 0 : i32
    %c0_i32_1 = arith.constant 0 : i32
    return %c0_i32, %arg0, %c0_i32_0 : i32, i32, i32
  }
  func.func @transform_1(%arg0: i32) -> (i32, i32) {
    %c0_i32 = arith.constant 0 : i32
    %c0_i32_0 = arith.constant 0 : i32
    %c0_i32_1 = arith.constant 0 : i32
    return %c0_i32, %c0_i32_0 : i32, i32
  }
  func.func @transform_2(%arg0: i32) -> (i32, i32) {
    %c0_i32 = arith.constant 0 : i32
    %c0_i32_0 = arith.constant 0 : i32
    %c0_i32_1 = arith.constant 0 : i32
    return %c0_i32, %c0_i32_0 : i32, i32
  }
  func.func @transform_3(%arg0: i32) -> (i32, i32) {
    %c0_i32 = arith.constant 0 : i32
    %c0_i32_0 = arith.constant 0 : i32
    %c0_i32_1 = arith.constant 0 : i32
    return %c0_i32, %c0_i32_0 : i32, i32
  }
  func.func @transform_4(%arg0: i32) -> (i32, i32) {
    %c0_i32 = arith.constant 0 : i32
    %c0_i32_0 = arith.constant 0 : i32
    %c0_i32_1 = arith.constant 0 : i32
    return %c0_i32, %c0_i32_0 : i32, i32
  }
  func.func @transform_5(%arg0: i32) -> (i32, i32) {
    %c0_i32 = arith.constant 0 : i32
    %c0_i32_0 = arith.constant 0 : i32
    %c0_i32_1 = arith.constant 0 : i32
    return %c0_i32, %c0_i32_0 : i32, i32
  }
  func.func @transform_6(%arg0: i32) -> (i32, i32) {
    %c0_i32 = arith.constant 0 : i32
    %c0_i32_0 = arith.constant 0 : i32
    %c0_i32_1 = arith.constant 0 : i32
    return %c0_i32, %c0_i32_0 : i32, i32
  }
  func.func @transform_7(%arg0: i32) -> (i32, i32) {
    %c0_i32 = arith.constant 0 : i32
    %c0_i32_0 = arith.constant 0 : i32
    return %arg0, %c0_i32 : i32, i32
  }
}

module attributes {stable_mosaic.version = 14 : i64} {
  func.func @_readout_body(%arg0: i32, %arg1: memref<1000x128xf32, #tpu.memory_space<vmem>>, %arg2: memref<1000x128xf32, #tpu.memory_space<vmem>>, %arg3: memref<1000x128xf32, #tpu.memory_space<vmem>>, %arg4: memref<1000x128xf32, #tpu.memory_space<vmem>>, %arg5: memref<1x32xf32, #tpu.memory_space<vmem>>, %arg6: memref<512x544xf32, #tpu.memory_space<vmem>>, %arg7: memref<32x544xf32, #tpu.memory_space<vmem>>, %arg8: memref<1x544xf32, #tpu.memory_space<vmem>>, %arg9: memref<544x128xf32, #tpu.memory_space<vmem>>, %arg10: memref<1x128xf32, #tpu.memory_space<vmem>>, %arg11: memref<1000x128xf32, #tpu.memory_space<vmem>>) attributes {dimension_semantics = [#tpu.dimension_semantics<arbitrary>], iteration_bounds = array<i64: 10>, scalar_prefetch = 0 : i64, scratch_operands = 0 : i64, tpu.core_type = #tpu.core_type<tc>, window_params = [{transform_indices = @transform_0, window_bounds = array<i64: 1000, 128>}, {transform_indices = @transform_1, window_bounds = array<i64: 1000, 128>}, {transform_indices = @transform_2, window_bounds = array<i64: 1000, 128>}, {transform_indices = @transform_3, window_bounds = array<i64: 1000, 128>}, {pipeline_mode = #tpu.pipeline_mode<synchronous>, transform_indices = @transform_4, window_bounds = array<i64: 1, 32>}, {pipeline_mode = #tpu.pipeline_mode<synchronous>, transform_indices = @transform_5, window_bounds = array<i64: 512, 544>}, {pipeline_mode = #tpu.pipeline_mode<synchronous>, transform_indices = @transform_6, window_bounds = array<i64: 32, 544>}, {pipeline_mode = #tpu.pipeline_mode<synchronous>, transform_indices = @transform_7, window_bounds = array<i64: 1, 544>}, {pipeline_mode = #tpu.pipeline_mode<synchronous>, transform_indices = @transform_8, window_bounds = array<i64: 544, 128>}, {pipeline_mode = #tpu.pipeline_mode<synchronous>, transform_indices = @transform_9, window_bounds = array<i64: 1, 128>}, {transform_indices = @transform_10, window_bounds = array<i64: 1000, 128>}]} {
    %get3A = arith.constant 0 : index
    %get3A_0 = arith.constant 0 : index
    %get3A_1 = vector.load %arg1[%get3A, %get3A_0] : memref<1000x128xf32, #tpu.memory_space<vmem>>, vector<1000x128xf32>
    %get3A_2 = arith.constant 0 : index
    %get3A_3 = arith.constant 0 : index
    %get3A_4 = vector.load %arg2[%get3A_2, %get3A_3] : memref<1000x128xf32, #tpu.memory_space<vmem>>, vector<1000x128xf32>
    %get3A_5 = arith.constant 0 : index
    %get3A_6 = arith.constant 0 : index
    %get3A_7 = vector.load %arg3[%get3A_5, %get3A_6] : memref<1000x128xf32, #tpu.memory_space<vmem>>, vector<1000x128xf32>
    %get3A_8 = arith.constant 0 : index
    %get3A_9 = arith.constant 0 : index
    %get3A_10 = vector.load %arg4[%get3A_8, %get3A_9] : memref<1000x128xf32, #tpu.memory_space<vmem>>, vector<1000x128xf32>
    %concatenate3A = tpu.concatenate %get3A_1, %get3A_4, %get3A_7, %get3A_10 in 1 : vector<1000x128xf32>, vector<1000x128xf32>, vector<1000x128xf32>, vector<1000x128xf32> -> vector<1000x512xf32>
    %get3A_11 = arith.constant 0 : index
    %get3A_12 = arith.constant 0 : index
    %get3A_13 = vector.load %arg5[%get3A_11, %get3A_12] : memref<1x32xf32, #tpu.memory_space<vmem>>, vector<1x32xf32>
    %get3A_14 = arith.constant 0 : index
    %get3A_15 = arith.constant 0 : index
    %get3A_16 = vector.load %arg7[%get3A_14, %get3A_15] : memref<32x544xf32, #tpu.memory_space<vmem>>, vector<32x544xf32>
    %dot_general3A = arith.constant dense<0.000000e+00> : vector<1x544xf32>
    %dot_general3A_17 = tpu.matmul %get3A_13, %get3A_16, %dot_general3A {dimension_numbers = #tpu.dot_dimension_numbers<[1], [0], [0], [1], [0, 0, 1, 1], [], []>, transpose_lhs_hint = false} : vector<1x32xf32>, vector<32x544xf32>, vector<1x544xf32> -> vector<1x544xf32>
    %get3A_18 = arith.constant 0 : index
    %get3A_19 = arith.constant 0 : index
    %get3A_20 = vector.load %arg6[%get3A_18, %get3A_19] : memref<512x544xf32, #tpu.memory_space<vmem>>, vector<512x544xf32>
    %dot_general3A_21 = arith.constant dense<0.000000e+00> : vector<1000x544xf32>
    %dot_general3A_22 = tpu.matmul %concatenate3A, %get3A_20, %dot_general3A_21 {dimension_numbers = #tpu.dot_dimension_numbers<[1], [0], [0], [1], [0, 0, 1, 1], [], []>, transpose_lhs_hint = false} : vector<1000x512xf32>, vector<512x544xf32>, vector<1000x544xf32> -> vector<1000x544xf32>
    %add3A = vector.broadcast %dot_general3A_17 : vector<1x544xf32> to vector<1000x544xf32>
    %add3A_23 = arith.addf %dot_general3A_22, %add3A : vector<1000x544xf32>
    %get3A_24 = arith.constant 0 : index
    %get3A_25 = arith.constant 0 : index
    %get3A_26 = vector.load %arg8[%get3A_24, %get3A_25] : memref<1x544xf32, #tpu.memory_space<vmem>>, vector<1x544xf32>
    %add3A_27 = vector.broadcast %get3A_26 : vector<1x544xf32> to vector<1000x544xf32>
    %add3A_28 = arith.addf %add3A_23, %add3A_27 : vector<1000x544xf32>
    %max3A = arith.constant 0.000000e+00 : f32
    %max3A_29 = vector.broadcast %max3A : f32 to vector<1000x544xf32>
    %max3A_30 = arith.maximumf %add3A_28, %max3A_29 : vector<1000x544xf32>
    %get3A_31 = arith.constant 0 : index
    %get3A_32 = arith.constant 0 : index
    %get3A_33 = vector.load %arg9[%get3A_31, %get3A_32] : memref<544x128xf32, #tpu.memory_space<vmem>>, vector<544x128xf32>
    %dot_general3A_34 = arith.constant dense<0.000000e+00> : vector<1000x128xf32>
    %dot_general3A_35 = tpu.matmul %max3A_30, %get3A_33, %dot_general3A_34 {dimension_numbers = #tpu.dot_dimension_numbers<[1], [0], [0], [1], [0, 0, 1, 1], [], []>, transpose_lhs_hint = false} : vector<1000x544xf32>, vector<544x128xf32>, vector<1000x128xf32> -> vector<1000x128xf32>
    %get3A_36 = arith.constant 0 : index
    %get3A_37 = arith.constant 0 : index
    %get3A_38 = vector.load %arg10[%get3A_36, %get3A_37] : memref<1x128xf32, #tpu.memory_space<vmem>>, vector<1x128xf32>
    %add3A_39 = vector.broadcast %get3A_38 : vector<1x128xf32> to vector<1000x128xf32>
    %add3A_40 = arith.addf %dot_general3A_35, %add3A_39 : vector<1000x128xf32>
    %swap3A = arith.constant 0 : index
    %swap3A_41 = arith.constant 0 : index
    %swap3A_42 = vector.load %arg11[%swap3A, %swap3A_41] : memref<1000x128xf32, #tpu.memory_space<vmem>>, vector<1000x128xf32>
    tpu.vector_store %arg11[%swap3A, %swap3A_41], %add3A_40 {strides = array<i32>} : memref<1000x128xf32, #tpu.memory_space<vmem>>, vector<1000x128xf32>,
    return
  }
  func.func @transform_0(%arg0: i32) -> (i32, i32) {
    %c0_i32 = arith.constant 0 : i32
    %c0_i32_0 = arith.constant 0 : i32
    return %arg0, %c0_i32 : i32, i32
  }
  func.func @transform_1(%arg0: i32) -> (i32, i32) {
    %c0_i32 = arith.constant 0 : i32
    %c0_i32_0 = arith.constant 0 : i32
    return %arg0, %c0_i32 : i32, i32
  }
  func.func @transform_2(%arg0: i32) -> (i32, i32) {
    %c0_i32 = arith.constant 0 : i32
    %c0_i32_0 = arith.constant 0 : i32
    return %arg0, %c0_i32 : i32, i32
  }
  func.func @transform_3(%arg0: i32) -> (i32, i32) {
    %c0_i32 = arith.constant 0 : i32
    %c0_i32_0 = arith.constant 0 : i32
    return %arg0, %c0_i32 : i32, i32
  }
  func.func @transform_4(%arg0: i32) -> (i32, i32) {
    %c0_i32 = arith.constant 0 : i32
    %c0_i32_0 = arith.constant 0 : i32
    %c0_i32_1 = arith.constant 0 : i32
    return %c0_i32, %c0_i32_0 : i32, i32
  }
  func.func @transform_5(%arg0: i32) -> (i32, i32) {
    %c0_i32 = arith.constant 0 : i32
    %c0_i32_0 = arith.constant 0 : i32
    %c0_i32_1 = arith.constant 0 : i32
    return %c0_i32, %c0_i32_0 : i32, i32
  }
  func.func @transform_6(%arg0: i32) -> (i32, i32) {
    %c0_i32 = arith.constant 0 : i32
    %c0_i32_0 = arith.constant 0 : i32
    %c0_i32_1 = arith.constant 0 : i32
    return %c0_i32, %c0_i32_0 : i32, i32
  }
  func.func @transform_7(%arg0: i32) -> (i32, i32) {
    %c0_i32 = arith.constant 0 : i32
    %c0_i32_0 = arith.constant 0 : i32
    %c0_i32_1 = arith.constant 0 : i32
    return %c0_i32, %c0_i32_0 : i32, i32
  }
  func.func @transform_8(%arg0: i32) -> (i32, i32) {
    %c0_i32 = arith.constant 0 : i32
    %c0_i32_0 = arith.constant 0 : i32
    %c0_i32_1 = arith.constant 0 : i32
    return %c0_i32, %c0_i32_0 : i32, i32
  }
  func.func @transform_9(%arg0: i32) -> (i32, i32) {
    %c0_i32 = arith.constant 0 : i32
    %c0_i32_0 = arith.constant 0 : i32
    %c0_i32_1 = arith.constant 0 : i32
    return %c0_i32, %c0_i32_0 : i32, i32
  }
  func.func @transform_10(%arg0: i32) -> (i32, i32) {
    %c0_i32 = arith.constant 0 : i32
    %c0_i32_0 = arith.constant 0 : i32
    return %arg0, %c0_i32 : i32, i32
  }
}

</mosaic_0001>

<sc_bundles>
// kernel: kernel.10.cloned.1.call-start
scs
__scs_entry_jumppad:
0x0: {  	(pc) =	sbr.rel $0x88, $3  }
0x1: {  	(tag) =	ssettag $0x0;
	lr =	simm.s32 $0x1  }
0x2: {  	[smem:$0x3F8E] =	sst lr;
	_ =	strace $0xD0000000  }
0x3: {  	_ = 	snop  }
0x4: {  	_ = 	snop  }
0x5: {  	_ = 	snop  }
0x6: {  	_ = 	snop  }
0x7: {  	_ = 	snop  }
__scs_overlays_trampoline_lowered:
0x8: {  	[smem:$0x3F9D] =	sst s0  }
0x9: {  	[smem:$0x3F9E] =	sst s1  }
0xa: {  	[smem:$0x3F9F] =	sst s2  }
0xb: {  	[smem:$0x3FA0] =	sst s3  }
0xc: {  	[smem:$0x3FA1] =	sst s4  }
0xd: {  	[smem:$0x3FA2] =	sst s5  }
0xe: {  	[smem:$0x3FA3] =	sst s6  }
0xf: {  	[smem:$0x3FA4] =	sst s7  }
0x10: {  	[smem:$0x3FA5] =	sst s8  }
0x11: {  	[smem:$0x3FA6] =	sst s9;
	s0 =	simm.s32 @!p0 $0x0  }
0x12: {  	s1 =	sld [smem:$0x3F8C];
	s0 =	simm.s32 @p0 $0x1  }
0x13: {  	[smem:$0x3FA7] =	sst s0;
	s0 =	simm.s32 @!p1 $0x0  }
0x14: {  	s2 =	sld [smem:$0x3F8B];
	s0 =	simm.s32 @p1 $0x1  }
0x15: {  	[smem:$0x3FA8] =	sst s0;
	s0 =	simm.s32 @!p2 $0x0  }
0x16: {  	s3 =	sld [smem:$0x3FDB];
	s0 =	simm.s32 @p2 $0x1  }
0x17: {  	s4 =	simm.s32 $0x1BF5;
	[smem:$0x3FAA] =	sst s0  }
0x18: {  	s0 =	sld [smem:$0x3F8D];
	_ =	swait.ge [sflag:s4], $0x0  }
0x19: {  	s7 =	sld [smem:$0x3F8E]  }
0x1a: {  	s8 =	sadd.s32 $0xFFFFE003, lr  }
0x1b: {  	s9 =	sadd.s32 $0xFFFFFEF7, lr;
	s5 =	simm.s32 $0xFFFFFFFF;
	p2 =	slt.u32 s8, $0xFFFFF086  }
0x1c: {  	p1 =	slt.u32 s9, $0xF7A;
	s5 =	simm.s32 @!p2 $0x0  }
0x1d: {  	s5 =	simm.s32 @p1 $0x1;
	p0 =	seq.s32 s7, s2  }
0x1e: {  	s7 =	smul.u32 @!p0 $0xF7A, s2;
	p2 =	seq.s32 @!p0 s5, $0x0  }
0x1f: {  	s9 =	smul.u32 $0xF7A, s1;
	s8 =	simm.s32 @!p0 $0x1BF5;
	p2 =	por !p2, p0  }
0x20: {  	[sflag:s8] =	ssyncset.s32 @!p0 $0xFFFFF086;
	s6 =	sadd.s32 @!p0 s3, s7;
	s7 =	simm.s32 @!p0 $0x108  }
0x21: {  	s3 =	sadd.s32 s3, s9;
	s6 =	sadd.s32 @!p0 $0x88, s6;
	s7 =	simm.s32 @p2 $0x1082  }
0x22: {  	[simem:s7], [sflag:s8] =	dma.local @!p0 [hbm:s6], $0xF7A  }
0x23: {  	s9 =	sor.u32 $0xD0000000, s2;
	s6 =	simm.s32 $0x108;
	_ =	swait.ge @!p0 [sflag:s8], $0x0  }
0x24: {  	s3 =	sadd.s32 $0x88, s3;
	s6 =	simm.s32 @!p1 $0x1082;
	[sflag:s4] =	ssyncset.s32 $0xFFFFF086  }
0x25: {  	[simem:s6], [sflag:s4] =	dma.local [hbm:s3], $0xF7A  }
0x26: {  	[smem:$0x3F8E] =	sst s1;
	(tag) =	ssettag s2;
	_ =	strace s9  }
0x27: {  	s1 =	sld [smem:$0x3F9E]  }
0x28: {  	s2 =	sld [smem:$0x3F9F]  }
0x29: {  	s4 =	sld [smem:$0x3FA1]  }
0x2a: {  	p0 =	seq.s32 s5, $0x0;
	s5 =	sld [smem:$0x3FA2]  }
0x2b: {  	s6 =	sld [smem:$0x3FA3]  }
0x2c: {  	s7 =	sld [smem:$0x3FA4]  }
0x2d: {  	s3 =	simm.s32 $0x108;
	s8 =	sld [smem:$0x3FA5]  }
0x2e: {  	s3 =	simm.s32 @!p0 $0x1082;
	s9 =	sld [smem:$0x3FA6]  }
0x2f: {  	lr =	sadd.s32 s0, s3;
	s0 =	sld [smem:$0x3F9D]  }
0x30: {  	s3 =	sld [smem:$0x3FA0]  }
0x31: {  	[smem:$0x3FA9] =	sst s10  }
0x32: {  	s10 =	sld [smem:$0x3FA7];
	_ =	sdelay $0x3  }
0x33: {  	p0 =	seq.s32 s10, $0x1;
	s10 =	sld [smem:$0x3FA9];
	_ =	sdelay $0x3  }
0x34: {  	[smem:$0x3FA9] =	sst s10  }
0x35: {  	s10 =	sld [smem:$0x3FA8];
	_ =	sdelay $0x3  }
0x36: {  	p1 =	seq.s32 s10, $0x1;
	s10 =	sld [smem:$0x3FA9];
	_ =	sdelay $0x3  }
0x37: {  	[smem:$0x3FA9] =	sst s10  }
0x38: {  	s10 =	sld [smem:$0x3FAA]  }
0x39: {  	_ = 	snop;
	(pc) =	sbr.ind lr, $3  }
0x3a: {  	_ = 	snop  }
0x3b: {  	_ = 	snop  }
0x3c: {  	p2 =	seq.s32 s10, $0x1;
	s10 =	sld [smem:$0x3FA9]  }
0x3d: {  	_ =	shalt  }
0x3e: {  	_ =	shalt  }
0x3f: {  	_ =	shalt  }
0x40: {  	_ =	shalt  }
0x41: {  	_ =	shalt  }
0x42: {  	_ =	shalt  }
0x43: {  	_ =	shalt  }
0x44: {  	_ =	shalt  }
0x45: {  	_ =	shalt  }
0x46: {  	_ =	shalt  }
0x47: {  	_ =	shalt  }
0x48: {  	_ =	shalt  }
0x49: {  	_ =	shalt  }
0x4a: {  	_ =	shalt  }
0x4b: {  	_ =	shalt  }
0x4c: {  	_ =	shalt  }
0x4d: {  	_ =	shalt  }
0x4e: {  	_ =	shalt  }
0x4f: {  	_ =	shalt  }
0x50: {  	_ =	shalt  }
0x51: {  	_ =	shalt  }
0x52: {  	_ =	shalt  }
0x53: {  	_ =	shalt  }
0x54: {  	_ =	shalt  }
0x55: {  	_ =	shalt  }
0x56: {  	_ =	shalt  }
0x57: {  	_ =	shalt  }
0x58: {  	_ =	shalt  }
0x59: {  	_ =	shalt  }
0x5a: {  	_ =	shalt  }
0x5b: {  	_ =	shalt  }
0x5c: {  	_ =	shalt  }
0x5d: {  	_ =	shalt  }
0x5e: {  	_ =	shalt  }
0x5f: {  	_ =	shalt  }
0x60: {  	_ =	shalt  }
0x61: {  	_ =	shalt  }
0x62: {  	_ =	shalt  }
0x63: {  	_ =	shalt  }
0x64: {  	_ =	shalt  }
0x65: {  	_ =	shalt  }
0x66: {  	_ =	shalt  }
0x67: {  	_ =	shalt  }
0x68: {  	_ =	shalt  }
0x69: {  	_ =	shalt  }
0x6a: {  	_ =	shalt  }
0x6b: {  	_ =	shalt  }
0x6c: {  	_ =	shalt  }
0x6d: {  	_ =	shalt  }
0x6e: {  	_ =	shalt  }
0x6f: {  	_ =	shalt  }
0x70: {  	_ =	shalt  }
0x71: {  	_ =	shalt  }
0x72: {  	_ =	shalt  }
0x73: {  	_ =	shalt  }
0x74: {  	_ =	shalt  }
0x75: {  	_ =	shalt  }
0x76: {  	_ =	shalt  }
0x77: {  	_ =	shalt  }
0x78: {  	_ =	shalt  }
0x79: {  	_ =	shalt  }
0x7a: {  	_ =	shalt  }
0x7b: {  	_ =	shalt  }
0x7c: {  	_ =	shalt  }
0x7d: {  	_ =	shalt  }
0x7e: {  	_ =	shalt  }
0x7f: {  	_ =	shalt  }
0x80: {  	_ =	shalt  }
0x81: {  	_ =	shalt  }
0x82: {  	_ =	shalt  }
0x83: {  	_ =	shalt  }
0x84: {  	_ =	shalt  }
0x85: {  	_ =	shalt  }
0x86: {  	_ =	shalt  }
0x87: {  	_ =	shalt  }
.Lfunc_end0:
.L_simem_size_0:
called_computation_lowered:
.L_overlay_start_0:
0x88: {  	s2 =	sld [smem:$0x3FD9]  }
0x89: {  	s3 =	sld [smem:$0x3FFE];
	_ =	sdelay $0x1  }
0x8a: {  	s1 =	srdreg.scid  }
0x8b: {  	s0 =	sand.u32 $0x1, s1  }
0x8c: {  	s17 =	sshll.u32 s0, $0xA;
	s2 =	sadd.s32 s3, s2  }
0x8d: {  	s2 =	sadd.s32 s2, s17  }
0x8e: {  	[smem:$0x3FB5] =	sst s2  }
0x8f: {  	_ = 	snop  }
0x90: {  	s2 =	sld [smem:$0x3FD0];
	(tm) =	ssettm $0x1  }
0x91: {  	s18 =	sld [smem:$0x3FFB];
	_ =	sdelay $0x3  }
0x92: {  	_ =	strace s18  }
0x93: {  	s3 =	sld [smem:$0x3FFC];
	_ =	sdelay $0x3  }
0x94: {  	_ =	strace s3  }
0x95: {  	s3 =	sld [smem:$0x3FFD];
	_ =	sdelay $0x3  }
0x96: {  	_ =	strace s3  }
0x97: {  	_ =	strace $0x8FFFFFFF  }
0x98: {  	s19 =	sld [smem:$0x3FDB];
	_ =	sdelay $0x1  }
0x99: {  	s4 =	simm.s32 $_scs_section_size  }
0x9a: {  	s5 =	simm.s32 $_size__tile_overlayer_lowered;
	s6 =	simm.s32 $_tile_overlayer_lowered  }
0x9b: {  	s22 =	simm.s32 $0x1BFF;
	s21 =	sshll.u32 s6, $0x1;
	s3 =	sadd.s32 s4, s19  }
0x9c: {  	s7 =	simm.s32 $0x0;
	s20 =	sshll.u32 s5, $0x1;
	s5 =	sadd.s32 s21, s3  }
0x9d: {  	[timem:s7], [sflag:s22] =	dma.local [hbm:s5], s20  }
0x9e: {  	_ =	swait.ge [sflag:s22], s20  }
0x9f: {  	s4 =	ssub.s32 $0x0, s20;
	[sflag:s22] =	ssyncset.done $0x0  }
0xa0: {  	[sflag:s22] =	ssyncadd.s32 s4;
	_ =	sdelay $0x1  }
0xa1: {  	s23 =	simm.s32 $0x1B8B  }
0xa2: {  	_ =	swait.ge [sflag:s23], $0x1  }
0xa3: {  	[sflag:s23] =	ssyncset.done $0x0  }
0xa4: {  	s25 =	simm.s32 $0x1B8E;
	s24 =	sld [smem:$0x3FFE];
	[sflag:s23] =	ssyncadd.s32 $0xFFFFFFFF  }
0xa5: {  	s26 =	simm.s32 $execute0_lowered;
	[smem:$0x3FD2] =	sst s25  }
0xa6: {  	s5 =	sshll.u32 s26, $0x1;
	_ =	strace $0x80000046;
	[dreg:$0x1] =	wrdreg $0xFFFFFFFF  }
0xa7: {  	s28 =	simm.s32 $_size_execute0_lowered;
	s3 =	sadd.s32 s3, s5;
	[dreg:$0x0] =	wrdreg $0x0  }
0xa8: {  	s5 =	sshll.u32 s28, $0x1;
	[dreg:$0x2] =	wrdreg s3  }
0xa9: {  	[dreg:$0x3] =	wrdreg s5  }
0xaa: {  	[dreg:$0x4] =	wrdreg $0xC0  }
0xab: {  	_ =	task [dreg:s7], $0x5FFFF  }
0xac: {  	[dreg:$0x1] =	wrdreg $0xFFFFFFFF  }
0xad: {  	[dreg:$0x0] =	wrdreg $0x60  }
0xae: {  	[dreg:$0x2] =	wrdreg s2  }
0xaf: {  	[dreg:$0x3] =	wrdreg s24  }
0xb0: {  	[dreg:$0x4] =	wrdreg $0x90000  }
0xb1: {  	[dreg:$0x5] =	wrdreg $0x9  }
0xb2: {  	_ =	task.clear_ibuf [dreg:s7], $0x6FFFF;
	_ =	strace $0x90000046  }
0xb3: {  	s29 =	simm.s32 $0x9;
	_ =	strace $0x80000048  }
0xb4: {  	_ =	swait.ge [sflag:s29], $0x1  }
0xb5: {  	[sflag:s29] =	ssyncadd.s32 $0xFFFFFFFF  }
0xb6: {  	_ =	strace $0x90000048  }
0xb7: {  	_ =	sfence  }
0xb8: {  	s30 =	sld [smem:$0x0];
	_ =	sdelay $0x2  }
0xb9: {  	s31 =	sshll.u32 s1, $0xD;
	s1 =	sshrl.u32 s1, $0x2  }
0xba: {  	s3 =	sand.u32 $0x4000, s31;
	s1 =	sadd.s32 s1, s30  }
0xbb: {  	s0 =	sor.u32 s3, s0;
	s1 =	sshll.u32 s1, $0x11  }
0xbc: {  	s0 =	sor.u32 s1, s0  }
0xbd: {  	s0 =	sadd.s32 $0x8F2B, s0  }
0xbe: {  	[sflag:s0] =	ssyncadd.remote.s32 $0x1  }
0xbf: {  	_ =	sfence.sel $0xFFFF  }
0xc0: {  	[dreg:$0x0] =	wrdreg $0xFFFFFFFF;
	(pc) =	sbr.abs _section_cstart, $3  }
0xc1: {  	[dreg:$0x1] =	wrdreg $0xFFFFFFFF  }
0xc2: {  	_ =	task.clear_ibuf [dreg:s7], $0x2FFFF;
	_ =	strace $0x9FFFFFFF  }
0xc3: {  	(tm) =	ssettm $0x7FFFFFFF  }
tec
execute0_lowered:
.L_overlay_start_1:
0x0: {  	(tag) =	ssettag $0x1  }
0x1: {  	s1 =	rddreg [dreg:$0x0]  }
0x2: {  	s0 =	srdreg.scid;
	s6 =	rddreg [dreg:$0x1]  }
0x3: {  	s3 =	rddreg [dreg:$0x2];
	s4 =	simm.s32 $0x0;
	s14 =	simm.s32 $0x80  }
0x4: {  	s15 =	simm.s32 $0x5000;
	s16 =	simm.s32 $0x1;
	s5 =	sand.u32 $0x1, s0  }
0x5: {  	s17 =	simm.s32 $0x0;
	s0 =	stileid.u32;
	s8 =	smul.u32 $0x13C000, s5  }
0x6: {  	[smem:$0x7FF] =	sst s4;
	s2 =	sshll.u32 s5, $0x4;
	s9 =	smul.u32 $0x13C00, s0  }
0x7: {  	s30 =	ssub.s32 $0x2, s5;
	s11 =	smul.u32 $0x4F000, s0;
	s5 =	sadd.s32 $0x19000, s6  }
0x8: {  	s12 =	sshll.u32 s0, $0x6;
	s2 =	sor.u32 s0, s2;
	s10 =	sshrl.u32 s30, $0x1  }
0x9: {  	s12 =	sor.u32 $0x1C02, s12;
	s7 =	smul.u32 $0x500, s2;
	s2 =	rddreg [dreg:$0x3]  }
0xa: {  	_ =	strace $0x80000047;
	s8 =	sadd.s32 s9, s8;
	s9 =	ssub.s32 s30, s10  }
0xb: {  	s31 =	sshrl.u32 s11, $0x2;
	s10 =	simm.s32 $0x2;
	s11 =	simm.s32 $0x2800  }
0xc: {  	s8 =	sshrl.u32 s8, $0x3;
	s13 =	sadd.s32 s31, s3;
	s9 =	smax.u32 s9, $0x1  }
0xd: {  	s7 =	sadd.s32 s7, s6;
	s8 =	sadd.s32 s8, s6;
	s13 =	sshrl.u32 s13, $0x3  }
0xe: {  	s6 =	sadd.s32 $0x5000, s7;
	s7 =	sadd.s32 $0xF000, s7;
	s8 =	sadd.s32 $0x1B800, s8  }
.LBB2_1:
0xf: {  	[tilespmem:s4], [sflag:$0x2] =	stream.linear.gather [hbm4b:s6+s4], $0x2800, $0x38;
	[tilespmem:$0x1CC00] =	vst v63  }
0x10: {  	_ =	swait.ge [sflag:s10], $0x2800  }
0x11: {  	[sflag:s10] =	ssyncset.done $0x0  }
0x12: {  	[sflag:s10] =	ssyncadd.s32 $0xFFFFD800  }
0x13: {  	[tilespmem:s11], [sflag:$0x2] =	stream.linear.gather [hbm4b:s7+s4], $0x2800, $0x38;
	[tilespmem:$0x1CC00] =	vst v63  }
0x14: {  	_ =	swait.ge [sflag:s10], $0x2800  }
0x15: {  	[sflag:s10] =	ssyncset.done $0x0  }
0x16: {  	[sflag:s10] =	ssyncadd.s32 $0xFFFFD800  }
0x17: {  	[spmem:s13], [sflag:s12] =	dma.local [hbm:s5], $0x2780  }
0x18: {  	_ =	swait.ge [sflag:s10], $0x2780  }
0x19: {  	[sflag:s10] =	ssyncset.done $0x0  }
0x1a: {  	[sflag:s10] =	ssyncadd.s32 $0xFFFFD880  }
0x1b: {  	s18 =	simm.s32 $0x0;
	[bflag:$0x0] =	sbarrier.arrive $0xFFFF  }
0x1c: {  	[tilespmem:s15], [sflag:$0x1] =	stream.indirect.gather [hbm4b:s1+s14], $0x80, s18, s14, $0xb8;
	[tilespmem:$0x1CC00] =	vst v63  }
0x1d: {  	_ =	swait.ge [sflag:s16], $0x4000  }
0x1e: {  	[sflag:s16] =	ssyncset.done $0x0  }
0x1f: {  	s31 =	simm.s32 $0x2800;
	[sflag:s16] =	ssyncadd.s32 $0xFFFFC000  }
0x20: {  	[spmem:s3] =	stream.indirect.scatter.add.f32 [tilespmem:s15], [sflag:$0x2], $0x80, s31, s14, $0xb8;
	[tilespmem:$0x1CC00] =	vst v63  }
0x21: {  	_ =	swait.ge [sflag:s10], $0x4000  }
0x22: {  	s19 =	simm.s32 $0x400;
	s18 =	simm.s32 $0x200;
	[sflag:s10] =	ssyncset.done $0x0  }
.LBB2_2:
0x23: {  	s20 =	sshra.s32 s18, $0x2  }
0x24: {  	[sflag:s10] =	ssyncadd.s32 $0xFFFFC000;
	s18 =	smov.u32 s19;
	s21 =	sadd.s32 $0x200, s19  }
0x25: {  	[tilespmem:s15], [sflag:$0x1] =	stream.indirect.gather [hbm4b:s1+s14], $0x80, s20, s14, $0xb8;
	[tilespmem:$0x1CC00] =	vst v63  }
0x26: {  	p0 =	sne.s32 s19, $0x9E00;
	_ =	swait.ge [sflag:s16], $0x4000  }
.Ltmp0:
0x27: {  	[sflag:s16] =	ssyncset.done $0x0;
	(pc) =	sbr.rel @p0 .LBB2_2-.Ltmp0, $4  }
0x28: {  	s19 =	sadd.s32 $0x2800, s20;
	[sflag:s16] =	ssyncadd.s32 $0xFFFFC000  }
0x29: {  	[spmem:s3] =	stream.indirect.scatter.add.f32 [tilespmem:s15], [sflag:$0x2], $0x80, s19, s14, $0xb8;
	[tilespmem:$0x1CC00] =	vst v63  }
0x2a: {  	_ =	swait.ge [sflag:s10], $0x4000  }
0x2b: {  	s19 =	smov.u32 s21;
	[sflag:s10] =	ssyncset.done $0x0  }
0x2c: {  	s18 =	sshra.s32 s18, $0x2;
	[sflag:s10] =	ssyncadd.s32 $0xFFFFC000  }
0x2d: {  	[tilespmem:s15], [sflag:$0x1] =	stream.indirect.gather [hbm4b:s1+s14], $0x80, s18, s14, $0xb8;
	[tilespmem:$0x1CC00] =	vst v63  }
0x2e: {  	_ =	swait.ge [sflag:s16], $0x4000  }
0x2f: {  	[sflag:s16] =	ssyncset.done $0x0  }
0x30: {  	s18 =	sadd.s32 $0x2800, s18;
	[sflag:s16] =	ssyncadd.s32 $0xFFFFC000  }
0x31: {  	[spmem:s3] =	stream.indirect.scatter.add.f32 [tilespmem:s15], [sflag:$0x2], $0x80, s18, s14, $0xb8;
	[tilespmem:$0x1CC00] =	vst v63  }
0x32: {  	_ =	swait.ge [sflag:s10], $0x4000  }
0x33: {  	s17 =	sadd.s32 $0x1, s17;
	[sflag:s10] =	ssyncset.done $0x0  }
0x34: {  	p0 =	sne.s32 s17, s9;
	[sflag:s10] =	ssyncadd.s32 $0xFFFFC000  }
.Ltmp1:
0x35: {  	[bflag:$0x0] =	sbarrier.arrive $0xFFFF;
	(pc) =	sbr.rel @p0 .LBB2_1-.Ltmp1, $4  }
0x36: {  	[hbm:s8], [sflag:s12] =	dma.local [spmem:s13], $0x2780  }
0x37: {  	_ =	swait.ge [sflag:s10], $0x2780  }
0x38: {  	[sflag:s10] =	ssyncset.done $0x0  }
0x39: {  	[sflag:s10] =	ssyncadd.s32 $0xFFFFD880  }
0x3a: {  	_ =	sfence.sel $0x180000  }
0x3b: {  	[bflag:$0x0] =	sbarrier.arrive $0xFFFF  }
0x3c: {  	p0 =	sne.s32 s0, $0x0;
	_ =	strace $0x90000047  }
0x3d: {  	s0 =	sadd.s32 @!p0 $0x100000, s2;
	[bflag:$0x2] =	sbarrier.arrive $0xFFFF  }
0x3e: {  	[sflag:s0] =	ssyncadd.tile.s32 @!p0 $0x1;
	_ =	shalt  }
.Lfunc_end2:
_tile_overlayer_lowered:
.L_overlay_start_2:
0x3f: {  	(tag) =	ssettag $0x2  }
0x40: {  	s0 =	rddreg [dreg:$0x0];
	s2 =	stileid.u32  }
0x41: {  	s1 =	rddreg [dreg:$0x1];
	p0 =	sne.s32 s2, $0x0  }
0x42: {  	s3 =	rddreg [dreg:$0x2];
	[bflag:$0x3] =	sbarrier.arrive $0xFFFF;
	s2 =	simm.s32 @!p0 $0x1C02  }
0x43: {  	[timem:s3], [sflag:s2] =	dma.local @!p0 [hbm:s0], s1  }
0x44: {  	s0 =	simm.s32 @!p0 $0x2  }
0x45: {  	_ =	swait.ge @!p0 [sflag:s0], s1  }
0x46: {  	s1 =	ssub.s32 @!p0 $0x0, s1;
	[sflag:s0] =	ssyncset.done @!p0 $0x0  }
0x47: {  	[sflag:s0] =	ssyncadd.s32 @!p0 s1  }
0x48: {  	[bflag:$0x3] =	sbarrier.arrive $0xFFFF  }
0x49: {  	_ =	shalt  }

// kernel: kernel.13.cloned.1.call-start
scs
__scs_entry_jumppad:
0x0: {  	(pc) =	sbr.rel $0x88, $3  }
0x1: {  	(tag) =	ssettag $0x0;
	lr =	simm.s32 $0x1  }
0x2: {  	[smem:$0x3F8E] =	sst lr;
	_ =	strace $0xD0000000  }
0x3: {  	_ = 	snop  }
0x4: {  	_ = 	snop  }
0x5: {  	_ = 	snop  }
0x6: {  	_ = 	snop  }
0x7: {  	_ = 	snop  }
__scs_overlays_trampoline_lowered:
0x8: {  	[smem:$0x3F9D] =	sst s0  }
0x9: {  	[smem:$0x3F9E] =	sst s1  }
0xa: {  	[smem:$0x3F9F] =	sst s2  }
0xb: {  	[smem:$0x3FA0] =	sst s3  }
0xc: {  	[smem:$0x3FA1] =	sst s4  }
0xd: {  	[smem:$0x3FA2] =	sst s5  }
0xe: {  	[smem:$0x3FA3] =	sst s6  }
0xf: {  	[smem:$0x3FA4] =	sst s7  }
0x10: {  	[smem:$0x3FA5] =	sst s8  }
0x11: {  	[smem:$0x3FA6] =	sst s9;
	s0 =	simm.s32 @!p0 $0x0  }
0x12: {  	s1 =	sld [smem:$0x3F8C];
	s0 =	simm.s32 @p0 $0x1  }
0x13: {  	[smem:$0x3FA7] =	sst s0;
	s0 =	simm.s32 @!p1 $0x0  }
0x14: {  	s2 =	sld [smem:$0x3F8B];
	s0 =	simm.s32 @p1 $0x1  }
0x15: {  	[smem:$0x3FA8] =	sst s0;
	s0 =	simm.s32 @!p2 $0x0  }
0x16: {  	s3 =	sld [smem:$0x3FDB];
	s0 =	simm.s32 @p2 $0x1  }
0x17: {  	s4 =	simm.s32 $0x1BF5;
	[smem:$0x3FAA] =	sst s0  }
0x18: {  	s0 =	sld [smem:$0x3F8D];
	_ =	swait.ge [sflag:s4], $0x0  }
0x19: {  	s7 =	sld [smem:$0x3F8E]  }
0x1a: {  	s8 =	sadd.s32 $0xFFFFE003, lr  }
0x1b: {  	s9 =	sadd.s32 $0xFFFFFEF7, lr;
	s5 =	simm.s32 $0xFFFFFFFF;
	p2 =	slt.u32 s8, $0xFFFFF086  }
0x1c: {  	p1 =	slt.u32 s9, $0xF7A;
	s5 =	simm.s32 @!p2 $0x0  }
0x1d: {  	s5 =	simm.s32 @p1 $0x1;
	p0 =	seq.s32 s7, s2  }
0x1e: {  	s7 =	smul.u32 @!p0 $0xF7A, s2;
	p2 =	seq.s32 @!p0 s5, $0x0  }
0x1f: {  	s9 =	smul.u32 $0xF7A, s1;
	s8 =	simm.s32 @!p0 $0x1BF5;
	p2 =	por !p2, p0  }
0x20: {  	[sflag:s8] =	ssyncset.s32 @!p0 $0xFFFFF086;
	s6 =	sadd.s32 @!p0 s3, s7;
	s7 =	simm.s32 @!p0 $0x108  }
0x21: {  	s3 =	sadd.s32 s3, s9;
	s6 =	sadd.s32 @!p0 $0x88, s6;
	s7 =	simm.s32 @p2 $0x1082  }
0x22: {  	[simem:s7], [sflag:s8] =	dma.local @!p0 [hbm:s6], $0xF7A  }
0x23: {  	s9 =	sor.u32 $0xD0000000, s2;
	s6 =	simm.s32 $0x108;
	_ =	swait.ge @!p0 [sflag:s8], $0x0  }
0x24: {  	s3 =	sadd.s32 $0x88, s3;
	s6 =	simm.s32 @!p1 $0x1082;
	[sflag:s4] =	ssyncset.s32 $0xFFFFF086  }
0x25: {  	[simem:s6], [sflag:s4] =	dma.local [hbm:s3], $0xF7A  }
0x26: {  	[smem:$0x3F8E] =	sst s1;
	(tag) =	ssettag s2;
	_ =	strace s9  }
0x27: {  	s1 =	sld [smem:$0x3F9E]  }
0x28: {  	s2 =	sld [smem:$0x3F9F]  }
0x29: {  	s4 =	sld [smem:$0x3FA1]  }
0x2a: {  	p0 =	seq.s32 s5, $0x0;
	s5 =	sld [smem:$0x3FA2]  }
0x2b: {  	s6 =	sld [smem:$0x3FA3]  }
0x2c: {  	s7 =	sld [smem:$0x3FA4]  }
0x2d: {  	s3 =	simm.s32 $0x108;
	s8 =	sld [smem:$0x3FA5]  }
0x2e: {  	s3 =	simm.s32 @!p0 $0x1082;
	s9 =	sld [smem:$0x3FA6]  }
0x2f: {  	lr =	sadd.s32 s0, s3;
	s0 =	sld [smem:$0x3F9D]  }
0x30: {  	s3 =	sld [smem:$0x3FA0]  }
0x31: {  	[smem:$0x3FA9] =	sst s10  }
0x32: {  	s10 =	sld [smem:$0x3FA7];
	_ =	sdelay $0x3  }
0x33: {  	p0 =	seq.s32 s10, $0x1;
	s10 =	sld [smem:$0x3FA9];
	_ =	sdelay $0x3  }
0x34: {  	[smem:$0x3FA9] =	sst s10  }
0x35: {  	s10 =	sld [smem:$0x3FA8];
	_ =	sdelay $0x3  }
0x36: {  	p1 =	seq.s32 s10, $0x1;
	s10 =	sld [smem:$0x3FA9];
	_ =	sdelay $0x3  }
0x37: {  	[smem:$0x3FA9] =	sst s10  }
0x38: {  	s10 =	sld [smem:$0x3FAA]  }
0x39: {  	_ = 	snop;
	(pc) =	sbr.ind lr, $3  }
0x3a: {  	_ = 	snop  }
0x3b: {  	_ = 	snop  }
0x3c: {  	p2 =	seq.s32 s10, $0x1;
	s10 =	sld [smem:$0x3FA9]  }
0x3d: {  	_ =	shalt  }
0x3e: {  	_ =	shalt  }
0x3f: {  	_ =	shalt  }
0x40: {  	_ =	shalt  }
0x41: {  	_ =	shalt  }
0x42: {  	_ =	shalt  }
0x43: {  	_ =	shalt  }
0x44: {  	_ =	shalt  }
0x45: {  	_ =	shalt  }
0x46: {  	_ =	shalt  }
0x47: {  	_ =	shalt  }
0x48: {  	_ =	shalt  }
0x49: {  	_ =	shalt  }
0x4a: {  	_ =	shalt  }
0x4b: {  	_ =	shalt  }
0x4c: {  	_ =	shalt  }
0x4d: {  	_ =	shalt  }
0x4e: {  	_ =	shalt  }
0x4f: {  	_ =	shalt  }
0x50: {  	_ =	shalt  }
0x51: {  	_ =	shalt  }
0x52: {  	_ =	shalt  }
0x53: {  	_ =	shalt  }
0x54: {  	_ =	shalt  }
0x55: {  	_ =	shalt  }
0x56: {  	_ =	shalt  }
0x57: {  	_ =	shalt  }
0x58: {  	_ =	shalt  }
0x59: {  	_ =	shalt  }
0x5a: {  	_ =	shalt  }
0x5b: {  	_ =	shalt  }
0x5c: {  	_ =	shalt  }
0x5d: {  	_ =	shalt  }
0x5e: {  	_ =	shalt  }
0x5f: {  	_ =	shalt  }
0x60: {  	_ =	shalt  }
0x61: {  	_ =	shalt  }
0x62: {  	_ =	shalt  }
0x63: {  	_ =	shalt  }
0x64: {  	_ =	shalt  }
0x65: {  	_ =	shalt  }
0x66: {  	_ =	shalt  }
0x67: {  	_ =	shalt  }
0x68: {  	_ =	shalt  }
0x69: {  	_ =	shalt  }
0x6a: {  	_ =	shalt  }
0x6b: {  	_ =	shalt  }
0x6c: {  	_ =	shalt  }
0x6d: {  	_ =	shalt  }
0x6e: {  	_ =	shalt  }
0x6f: {  	_ =	shalt  }
0x70: {  	_ =	shalt  }
0x71: {  	_ =	shalt  }
0x72: {  	_ =	shalt  }
0x73: {  	_ =	shalt  }
0x74: {  	_ =	shalt  }
0x75: {  	_ =	shalt  }
0x76: {  	_ =	shalt  }
0x77: {  	_ =	shalt  }
0x78: {  	_ =	shalt  }
0x79: {  	_ =	shalt  }
0x7a: {  	_ =	shalt  }
0x7b: {  	_ =	shalt  }
0x7c: {  	_ =	shalt  }
0x7d: {  	_ =	shalt  }
0x7e: {  	_ =	shalt  }
0x7f: {  	_ =	shalt  }
0x80: {  	_ =	shalt  }
0x81: {  	_ =	shalt  }
0x82: {  	_ =	shalt  }
0x83: {  	_ =	shalt  }
0x84: {  	_ =	shalt  }
0x85: {  	_ =	shalt  }
0x86: {  	_ =	shalt  }
0x87: {  	_ =	shalt  }
.Lfunc_end0:
.L_simem_size_0:
called_computation.1_lowered:
.L_overlay_start_0:
0x88: {  	s2 =	sld [smem:$0x3FD9]  }
0x89: {  	s3 =	sld [smem:$0x3FFE];
	_ =	sdelay $0x1  }
0x8a: {  	s1 =	srdreg.scid  }
0x8b: {  	s0 =	sand.u32 $0x1, s1  }
0x8c: {  	s16 =	sshll.u32 s0, $0xA;
	s2 =	sadd.s32 s3, s2  }
0x8d: {  	s2 =	sadd.s32 s2, s16  }
0x8e: {  	[smem:$0x3FB5] =	sst s2  }
0x8f: {  	_ = 	snop  }
0x90: {  	(tm) =	ssettm $0x1  }
0x91: {  	s17 =	sld [smem:$0x3FFB];
	_ =	sdelay $0x3  }
0x92: {  	_ =	strace s17  }
0x93: {  	s2 =	sld [smem:$0x3FFC];
	_ =	sdelay $0x3  }
0x94: {  	_ =	strace s2  }
0x95: {  	s2 =	sld [smem:$0x3FFD];
	_ =	sdelay $0x3  }
0x96: {  	_ =	strace s2  }
0x97: {  	_ =	strace $0x8FFFFFFF  }
0x98: {  	s18 =	sld [smem:$0x3FDB];
	_ =	sdelay $0x1  }
0x99: {  	s19 =	simm.s32 $_scs_section_size  }
0x9a: {  	s4 =	simm.s32 $_size__tile_overlayer_lowered;
	s5 =	simm.s32 $_tile_overlayer_lowered  }
0x9b: {  	s22 =	simm.s32 $0x1BFF;
	s21 =	sshll.u32 s5, $0x1;
	s2 =	sadd.s32 s19, s18  }
0x9c: {  	s6 =	simm.s32 $0x0;
	s20 =	sshll.u32 s4, $0x1;
	s4 =	sadd.s32 s21, s2  }
0x9d: {  	[timem:s6], [sflag:s22] =	dma.local [hbm:s4], s20  }
0x9e: {  	_ =	swait.ge [sflag:s22], s20  }
0x9f: {  	s3 =	ssub.s32 $0x0, s20;
	[sflag:s22] =	ssyncset.done $0x0  }
0xa0: {  	[sflag:s22] =	ssyncadd.s32 s3;
	_ =	sdelay $0x1  }
0xa1: {  	s23 =	simm.s32 $0x1B8B  }
0xa2: {  	_ =	swait.ge [sflag:s23], $0x1  }
0xa3: {  	[sflag:s23] =	ssyncset.done $0x0  }
0xa4: {  	s25 =	simm.s32 $0x1B8E;
	s24 =	sld [smem:$0x3FFE];
	[sflag:s23] =	ssyncadd.s32 $0xFFFFFFFF  }
0xa5: {  	s26 =	simm.s32 $execute0_lowered;
	[smem:$0x3FD2] =	sst s25  }
0xa6: {  	s4 =	sshll.u32 s26, $0x1;
	_ =	strace $0x80000049;
	[dreg:$0x1] =	wrdreg $0xFFFFFFFF  }
0xa7: {  	s28 =	simm.s32 $_size_execute0_lowered;
	s2 =	sadd.s32 s2, s4;
	[dreg:$0x0] =	wrdreg $0x0  }
0xa8: {  	s4 =	sshll.u32 s28, $0x1;
	[dreg:$0x2] =	wrdreg s2  }
0xa9: {  	[dreg:$0x3] =	wrdreg s4  }
0xaa: {  	[dreg:$0x4] =	wrdreg $0xC0  }
0xab: {  	_ =	task [dreg:s6], $0x5FFFF  }
0xac: {  	[dreg:$0x1] =	wrdreg $0xFFFFFFFF  }
0xad: {  	[dreg:$0x0] =	wrdreg $0x60  }
0xae: {  	[dreg:$0x2] =	wrdreg s24  }
0xaf: {  	[dreg:$0x3] =	wrdreg $0x90000  }
0xb0: {  	[dreg:$0x4] =	wrdreg $0x9  }
0xb1: {  	_ =	task.clear_ibuf [dreg:s6], $0x5FFFF;
	_ =	strace $0x90000049  }
0xb2: {  	s29 =	simm.s32 $0x9;
	_ =	strace $0x8000004B  }
0xb3: {  	_ =	swait.ge [sflag:s29], $0x1  }
0xb4: {  	[sflag:s29] =	ssyncadd.s32 $0xFFFFFFFF  }
0xb5: {  	_ =	strace $0x9000004B  }
0xb6: {  	_ =	sfence  }
0xb7: {  	s30 =	sld [smem:$0x0];
	_ =	sdelay $0x2  }
0xb8: {  	s31 =	sshll.u32 s1, $0xD;
	s1 =	sshrl.u32 s1, $0x2  }
0xb9: {  	s3 =	sand.u32 $0x4000, s31;
	s1 =	sadd.s32 s1, s30  }
0xba: {  	s0 =	sor.u32 s3, s0;
	s1 =	sshll.u32 s1, $0x11  }
0xbb: {  	s0 =	sor.u32 s1, s0  }
0xbc: {  	s0 =	sadd.s32 $0x8F2B, s0  }
0xbd: {  	[sflag:s0] =	ssyncadd.remote.s32 $0x1  }
0xbe: {  	_ =	sfence.sel $0xFFFF  }
0xbf: {  	[dreg:$0x0] =	wrdreg $0xFFFFFFFF;
	(pc) =	sbr.abs _section_cstart, $3  }
0xc0: {  	[dreg:$0x1] =	wrdreg $0xFFFFFFFF  }
0xc1: {  	_ =	task.clear_ibuf [dreg:s6], $0x2FFFF;
	_ =	strace $0x9FFFFFFF  }
0xc2: {  	(tm) =	ssettm $0x7FFFFFFF  }
0xc3: {  	_ =	shalt  }
tec
execute0_lowered:
.L_overlay_start_1:
0x0: {  	(tag) =	ssettag $0x1  }
0x1: {  	s6 =	rddreg [dreg:$0x0]  }
0x2: {  	s0 =	srdreg.scid;
	s2 =	rddreg [dreg:$0x1]  }
0x3: {  	s3 =	simm.s32 $0x0;
	s14 =	simm.s32 $0x80;
	s15 =	simm.s32 $0x5000  }
0x4: {  	s16 =	simm.s32 $0x1;
	s5 =	sand.u32 $0x1, s0;
	s0 =	stileid.u32  }
0x5: {  	s17 =	simm.s32 $0x0;
	[smem:$0x7FF] =	sst s3;
	s8 =	smul.u32 $0x13C000, s5  }
0x6: {  	s4 =	sadd.s32 $0x1B800, s6;
	s1 =	sshll.u32 s5, $0x4;
	s9 =	smul.u32 $0x13C00, s0  }
0x7: {  	s30 =	ssub.s32 $0x2, s5;
	s11 =	smul.u32 $0x4F000, s0;
	s5 =	sadd.s32 $0x19000, s6  }
0x8: {  	s12 =	sshll.u32 s0, $0x6;
	s1 =	sor.u32 s0, s1;
	s10 =	sshrl.u32 s30, $0x1  }
0x9: {  	s12 =	sor.u32 $0x1C02, s12;
	s7 =	smul.u32 $0x500, s1;
	s1 =	rddreg [dreg:$0x2]  }
0xa: {  	_ =	strace $0x8000004A;
	s8 =	sadd.s32 s9, s8;
	s9 =	ssub.s32 s30, s10  }
0xb: {  	s31 =	sshrl.u32 s11, $0x2;
	s10 =	simm.s32 $0x2;
	s11 =	simm.s32 $0x2800  }
0xc: {  	s8 =	sshrl.u32 s8, $0x3;
	s13 =	sadd.s32 s31, s2;
	s9 =	smax.u32 s9, $0x1  }
0xd: {  	s7 =	sadd.s32 s7, s6;
	s8 =	sadd.s32 s8, s6;
	s13 =	sshrl.u32 s13, $0x3  }
0xe: {  	s6 =	sadd.s32 $0x5000, s7;
	s7 =	sadd.s32 $0xF000, s7;
	s8 =	sadd.s32 $0x42A00, s8  }
.LBB2_1:
0xf: {  	[tilespmem:s3], [sflag:$0x2] =	stream.linear.gather [hbm4b:s6+s3], $0x2800, $0x38;
	[tilespmem:$0x1CC00] =	vst v63  }
0x10: {  	_ =	swait.ge [sflag:s10], $0x2800  }
0x11: {  	[sflag:s10] =	ssyncset.done $0x0  }
0x12: {  	[sflag:s10] =	ssyncadd.s32 $0xFFFFD800  }
0x13: {  	[tilespmem:s11], [sflag:$0x2] =	stream.linear.gather [hbm4b:s7+s3], $0x2800, $0x38;
	[tilespmem:$0x1CC00] =	vst v63  }
0x14: {  	_ =	swait.ge [sflag:s10], $0x2800  }
0x15: {  	[sflag:s10] =	ssyncset.done $0x0  }
0x16: {  	[sflag:s10] =	ssyncadd.s32 $0xFFFFD800  }
0x17: {  	[spmem:s13], [sflag:s12] =	dma.local [hbm:s5], $0x2780  }
0x18: {  	_ =	swait.ge [sflag:s10], $0x2780  }
0x19: {  	[sflag:s10] =	ssyncset.done $0x0  }
0x1a: {  	[sflag:s10] =	ssyncadd.s32 $0xFFFFD880  }
0x1b: {  	s18 =	simm.s32 $0x0;
	[bflag:$0x0] =	sbarrier.arrive $0xFFFF  }
0x1c: {  	[tilespmem:s15], [sflag:$0x1] =	stream.indirect.gather [hbm4b:s4+s14], $0x80, s18, s14, $0xb8;
	[tilespmem:$0x1CC00] =	vst v63  }
0x1d: {  	_ =	swait.ge [sflag:s16], $0x4000  }
0x1e: {  	[sflag:s16] =	ssyncset.done $0x0  }
0x1f: {  	s31 =	simm.s32 $0x2800;
	[sflag:s16] =	ssyncadd.s32 $0xFFFFC000  }
0x20: {  	[spmem:s2] =	stream.indirect.scatter.add.f32 [tilespmem:s15], [sflag:$0x2], $0x80, s31, s14, $0xb8;
	[tilespmem:$0x1CC00] =	vst v63  }
0x21: {  	_ =	swait.ge [sflag:s10], $0x4000  }
0x22: {  	s19 =	simm.s32 $0x400;
	s18 =	simm.s32 $0x200;
	[sflag:s10] =	ssyncset.done $0x0  }
.LBB2_2:
0x23: {  	s20 =	sshra.s32 s18, $0x2  }
0x24: {  	[sflag:s10] =	ssyncadd.s32 $0xFFFFC000;
	s18 =	smov.u32 s19;
	s21 =	sadd.s32 $0x200, s19  }
0x25: {  	[tilespmem:s15], [sflag:$0x1] =	stream.indirect.gather [hbm4b:s4+s14], $0x80, s20, s14, $0xb8;
	[tilespmem:$0x1CC00] =	vst v63  }
0x26: {  	p0 =	sne.s32 s19, $0x9E00;
	_ =	swait.ge [sflag:s16], $0x4000  }
.Ltmp0:
0x27: {  	[sflag:s16] =	ssyncset.done $0x0;
	(pc) =	sbr.rel @p0 .LBB2_2-.Ltmp0, $4  }
0x28: {  	s19 =	sadd.s32 $0x2800, s20;
	[sflag:s16] =	ssyncadd.s32 $0xFFFFC000  }
0x29: {  	[spmem:s2] =	stream.indirect.scatter.add.f32 [tilespmem:s15], [sflag:$0x2], $0x80, s19, s14, $0xb8;
	[tilespmem:$0x1CC00] =	vst v63  }
0x2a: {  	_ =	swait.ge [sflag:s10], $0x4000  }
0x2b: {  	s19 =	smov.u32 s21;
	[sflag:s10] =	ssyncset.done $0x0  }
0x2c: {  	s18 =	sshra.s32 s18, $0x2;
	[sflag:s10] =	ssyncadd.s32 $0xFFFFC000  }
0x2d: {  	[tilespmem:s15], [sflag:$0x1] =	stream.indirect.gather [hbm4b:s4+s14], $0x80, s18, s14, $0xb8;
	[tilespmem:$0x1CC00] =	vst v63  }
0x2e: {  	_ =	swait.ge [sflag:s16], $0x4000  }
0x2f: {  	[sflag:s16] =	ssyncset.done $0x0  }
0x30: {  	s18 =	sadd.s32 $0x2800, s18;
	[sflag:s16] =	ssyncadd.s32 $0xFFFFC000  }
0x31: {  	[spmem:s2] =	stream.indirect.scatter.add.f32 [tilespmem:s15], [sflag:$0x2], $0x80, s18, s14, $0xb8;
	[tilespmem:$0x1CC00] =	vst v63  }
0x32: {  	_ =	swait.ge [sflag:s10], $0x4000  }
0x33: {  	s17 =	sadd.s32 $0x1, s17;
	[sflag:s10] =	ssyncset.done $0x0  }
0x34: {  	p0 =	sne.s32 s17, s9;
	[sflag:s10] =	ssyncadd.s32 $0xFFFFC000  }
.Ltmp1:
0x35: {  	[bflag:$0x0] =	sbarrier.arrive $0xFFFF;
	(pc) =	sbr.rel @p0 .LBB2_1-.Ltmp1, $4  }
0x36: {  	[hbm:s8], [sflag:s12] =	dma.local [spmem:s13], $0x2780  }
0x37: {  	_ =	swait.ge [sflag:s10], $0x2780  }
0x38: {  	[sflag:s10] =	ssyncset.done $0x0  }
0x39: {  	[sflag:s10] =	ssyncadd.s32 $0xFFFFD880  }
0x3a: {  	_ =	sfence.sel $0x180000  }
0x3b: {  	[bflag:$0x0] =	sbarrier.arrive $0xFFFF  }
0x3c: {  	p0 =	sne.s32 s0, $0x0;
	_ =	strace $0x9000004A  }
0x3d: {  	s0 =	sadd.s32 @!p0 $0x100000, s1;
	[bflag:$0x2] =	sbarrier.arrive $0xFFFF  }
0x3e: {  	[sflag:s0] =	ssyncadd.tile.s32 @!p0 $0x1;
	_ =	shalt  }
.Lfunc_end2:
_tile_overlayer_lowered:
.L_overlay_start_2:
0x3f: {  	(tag) =	ssettag $0x2  }
0x40: {  	s0 =	rddreg [dreg:$0x0];
	s2 =	stileid.u32  }
0x41: {  	s1 =	rddreg [dreg:$0x1];
	p0 =	sne.s32 s2, $0x0  }
0x42: {  	s3 =	rddreg [dreg:$0x2];
	[bflag:$0x3] =	sbarrier.arrive $0xFFFF;
	s2 =	simm.s32 @!p0 $0x1C02  }
0x43: {  	[timem:s3], [sflag:s2] =	dma.local @!p0 [hbm:s0], s1  }
0x44: {  	s0 =	simm.s32 @!p0 $0x2  }
0x45: {  	_ =	swait.ge @!p0 [sflag:s0], s1  }
0x46: {  	s1 =	ssub.s32 @!p0 $0x0, s1;
	[sflag:s0] =	ssyncset.done @!p0 $0x0  }
0x47: {  	[sflag:s0] =	ssyncadd.s32 @!p0 s1  }
0x48: {  	[bflag:$0x3] =	sbarrier.arrive $0xFFFF  }
0x49: {  	_ =	shalt  }

// kernel: kernel.16.cloned.1.call-start
scs
__scs_entry_jumppad:
0x0: {  	(pc) =	sbr.rel $0x88, $3  }
0x1: {  	(tag) =	ssettag $0x0;
	lr =	simm.s32 $0x1  }
0x2: {  	[smem:$0x3F8E] =	sst lr;
	_ =	strace $0xD0000000  }
0x3: {  	_ = 	snop  }
0x4: {  	_ = 	snop  }
0x5: {  	_ = 	snop  }
0x6: {  	_ = 	snop  }
0x7: {  	_ = 	snop  }
__scs_overlays_trampoline_lowered:
0x8: {  	[smem:$0x3F9D] =	sst s0  }
0x9: {  	[smem:$0x3F9E] =	sst s1  }
0xa: {  	[smem:$0x3F9F] =	sst s2  }
0xb: {  	[smem:$0x3FA0] =	sst s3  }
0xc: {  	[smem:$0x3FA1] =	sst s4  }
0xd: {  	[smem:$0x3FA2] =	sst s5  }
0xe: {  	[smem:$0x3FA3] =	sst s6  }
0xf: {  	[smem:$0x3FA4] =	sst s7  }
0x10: {  	[smem:$0x3FA5] =	sst s8  }
0x11: {  	[smem:$0x3FA6] =	sst s9;
	s0 =	simm.s32 @!p0 $0x0  }
0x12: {  	s1 =	sld [smem:$0x3F8C];
	s0 =	simm.s32 @p0 $0x1  }
0x13: {  	[smem:$0x3FA7] =	sst s0;
	s0 =	simm.s32 @!p1 $0x0  }
0x14: {  	s2 =	sld [smem:$0x3F8B];
	s0 =	simm.s32 @p1 $0x1  }
0x15: {  	[smem:$0x3FA8] =	sst s0;
	s0 =	simm.s32 @!p2 $0x0  }
0x16: {  	s3 =	sld [smem:$0x3FDB];
	s0 =	simm.s32 @p2 $0x1  }
0x17: {  	s4 =	simm.s32 $0x1BF5;
	[smem:$0x3FAA] =	sst s0  }
0x18: {  	s0 =	sld [smem:$0x3F8D];
	_ =	swait.ge [sflag:s4], $0x0  }
0x19: {  	s7 =	sld [smem:$0x3F8E]  }
0x1a: {  	s8 =	sadd.s32 $0xFFFFE003, lr  }
0x1b: {  	s9 =	sadd.s32 $0xFFFFFEF7, lr;
	s5 =	simm.s32 $0xFFFFFFFF;
	p2 =	slt.u32 s8, $0xFFFFF086  }
0x1c: {  	p1 =	slt.u32 s9, $0xF7A;
	s5 =	simm.s32 @!p2 $0x0  }
0x1d: {  	s5 =	simm.s32 @p1 $0x1;
	p0 =	seq.s32 s7, s2  }
0x1e: {  	s7 =	smul.u32 @!p0 $0xF7A, s2;
	p2 =	seq.s32 @!p0 s5, $0x0  }
0x1f: {  	s9 =	smul.u32 $0xF7A, s1;
	s8 =	simm.s32 @!p0 $0x1BF5;
	p2 =	por !p2, p0  }
0x20: {  	[sflag:s8] =	ssyncset.s32 @!p0 $0xFFFFF086;
	s6 =	sadd.s32 @!p0 s3, s7;
	s7 =	simm.s32 @!p0 $0x108  }
0x21: {  	s3 =	sadd.s32 s3, s9;
	s6 =	sadd.s32 @!p0 $0x88, s6;
	s7 =	simm.s32 @p2 $0x1082  }
0x22: {  	[simem:s7], [sflag:s8] =	dma.local @!p0 [hbm:s6], $0xF7A  }
0x23: {  	s9 =	sor.u32 $0xD0000000, s2;
	s6 =	simm.s32 $0x108;
	_ =	swait.ge @!p0 [sflag:s8], $0x0  }
0x24: {  	s3 =	sadd.s32 $0x88, s3;
	s6 =	simm.s32 @!p1 $0x1082;
	[sflag:s4] =	ssyncset.s32 $0xFFFFF086  }
0x25: {  	[simem:s6], [sflag:s4] =	dma.local [hbm:s3], $0xF7A  }
0x26: {  	[smem:$0x3F8E] =	sst s1;
	(tag) =	ssettag s2;
	_ =	strace s9  }
0x27: {  	s1 =	sld [smem:$0x3F9E]  }
0x28: {  	s2 =	sld [smem:$0x3F9F]  }
0x29: {  	s4 =	sld [smem:$0x3FA1]  }
0x2a: {  	p0 =	seq.s32 s5, $0x0;
	s5 =	sld [smem:$0x3FA2]  }
0x2b: {  	s6 =	sld [smem:$0x3FA3]  }
0x2c: {  	s7 =	sld [smem:$0x3FA4]  }
0x2d: {  	s3 =	simm.s32 $0x108;
	s8 =	sld [smem:$0x3FA5]  }
0x2e: {  	s3 =	simm.s32 @!p0 $0x1082;
	s9 =	sld [smem:$0x3FA6]  }
0x2f: {  	lr =	sadd.s32 s0, s3;
	s0 =	sld [smem:$0x3F9D]  }
0x30: {  	s3 =	sld [smem:$0x3FA0]  }
0x31: {  	[smem:$0x3FA9] =	sst s10  }
0x32: {  	s10 =	sld [smem:$0x3FA7];
	_ =	sdelay $0x3  }
0x33: {  	p0 =	seq.s32 s10, $0x1;
	s10 =	sld [smem:$0x3FA9];
	_ =	sdelay $0x3  }
0x34: {  	[smem:$0x3FA9] =	sst s10  }
0x35: {  	s10 =	sld [smem:$0x3FA8];
	_ =	sdelay $0x3  }
0x36: {  	p1 =	seq.s32 s10, $0x1;
	s10 =	sld [smem:$0x3FA9];
	_ =	sdelay $0x3  }
0x37: {  	[smem:$0x3FA9] =	sst s10  }
0x38: {  	s10 =	sld [smem:$0x3FAA]  }
0x39: {  	_ = 	snop;
	(pc) =	sbr.ind lr, $3  }
0x3a: {  	_ = 	snop  }
0x3b: {  	_ = 	snop  }
0x3c: {  	p2 =	seq.s32 s10, $0x1;
	s10 =	sld [smem:$0x3FA9]  }
0x3d: {  	_ =	shalt  }
0x3e: {  	_ =	shalt  }
0x3f: {  	_ =	shalt  }
0x40: {  	_ =	shalt  }
0x41: {  	_ =	shalt  }
0x42: {  	_ =	shalt  }
0x43: {  	_ =	shalt  }
0x44: {  	_ =	shalt  }
0x45: {  	_ =	shalt  }
0x46: {  	_ =	shalt  }
0x47: {  	_ =	shalt  }
0x48: {  	_ =	shalt  }
0x49: {  	_ =	shalt  }
0x4a: {  	_ =	shalt  }
0x4b: {  	_ =	shalt  }
0x4c: {  	_ =	shalt  }
0x4d: {  	_ =	shalt  }
0x4e: {  	_ =	shalt  }
0x4f: {  	_ =	shalt  }
0x50: {  	_ =	shalt  }
0x51: {  	_ =	shalt  }
0x52: {  	_ =	shalt  }
0x53: {  	_ =	shalt  }
0x54: {  	_ =	shalt  }
0x55: {  	_ =	shalt  }
0x56: {  	_ =	shalt  }
0x57: {  	_ =	shalt  }
0x58: {  	_ =	shalt  }
0x59: {  	_ =	shalt  }
0x5a: {  	_ =	shalt  }
0x5b: {  	_ =	shalt  }
0x5c: {  	_ =	shalt  }
0x5d: {  	_ =	shalt  }
0x5e: {  	_ =	shalt  }
0x5f: {  	_ =	shalt  }
0x60: {  	_ =	shalt  }
0x61: {  	_ =	shalt  }
0x62: {  	_ =	shalt  }
0x63: {  	_ =	shalt  }
0x64: {  	_ =	shalt  }
0x65: {  	_ =	shalt  }
0x66: {  	_ =	shalt  }
0x67: {  	_ =	shalt  }
0x68: {  	_ =	shalt  }
0x69: {  	_ =	shalt  }
0x6a: {  	_ =	shalt  }
0x6b: {  	_ =	shalt  }
0x6c: {  	_ =	shalt  }
0x6d: {  	_ =	shalt  }
0x6e: {  	_ =	shalt  }
0x6f: {  	_ =	shalt  }
0x70: {  	_ =	shalt  }
0x71: {  	_ =	shalt  }
0x72: {  	_ =	shalt  }
0x73: {  	_ =	shalt  }
0x74: {  	_ =	shalt  }
0x75: {  	_ =	shalt  }
0x76: {  	_ =	shalt  }
0x77: {  	_ =	shalt  }
0x78: {  	_ =	shalt  }
0x79: {  	_ =	shalt  }
0x7a: {  	_ =	shalt  }
0x7b: {  	_ =	shalt  }
0x7c: {  	_ =	shalt  }
0x7d: {  	_ =	shalt  }
0x7e: {  	_ =	shalt  }
0x7f: {  	_ =	shalt  }
0x80: {  	_ =	shalt  }
0x81: {  	_ =	shalt  }
0x82: {  	_ =	shalt  }
0x83: {  	_ =	shalt  }
0x84: {  	_ =	shalt  }
0x85: {  	_ =	shalt  }
0x86: {  	_ =	shalt  }
0x87: {  	_ =	shalt  }
.Lfunc_end0:
.L_simem_size_0:
called_computation.2_lowered:
.L_overlay_start_0:
0x88: {  	s2 =	sld [smem:$0x3FD9]  }
0x89: {  	s3 =	sld [smem:$0x3FFE];
	_ =	sdelay $0x1  }
0x8a: {  	s1 =	srdreg.scid  }
0x8b: {  	s0 =	sand.u32 $0x1, s1  }
0x8c: {  	s16 =	sshll.u32 s0, $0xA;
	s2 =	sadd.s32 s3, s2  }
0x8d: {  	s2 =	sadd.s32 s2, s16  }
0x8e: {  	[smem:$0x3FB5] =	sst s2  }
0x8f: {  	_ = 	snop  }
0x90: {  	(tm) =	ssettm $0x1  }
0x91: {  	s17 =	sld [smem:$0x3FFB];
	_ =	sdelay $0x3  }
0x92: {  	_ =	strace s17  }
0x93: {  	s2 =	sld [smem:$0x3FFC];
	_ =	sdelay $0x3  }
0x94: {  	_ =	strace s2  }
0x95: {  	s2 =	sld [smem:$0x3FFD];
	_ =	sdelay $0x3  }
0x96: {  	_ =	strace s2  }
0x97: {  	_ =	strace $0x8FFFFFFF  }
0x98: {  	s18 =	sld [smem:$0x3FDB];
	_ =	sdelay $0x1  }
0x99: {  	s19 =	simm.s32 $_scs_section_size  }
0x9a: {  	s4 =	simm.s32 $_size__tile_overlayer_lowered;
	s5 =	simm.s32 $_tile_overlayer_lowered  }
0x9b: {  	s22 =	simm.s32 $0x1BFF;
	s21 =	sshll.u32 s5, $0x1;
	s2 =	sadd.s32 s19, s18  }
0x9c: {  	s6 =	simm.s32 $0x0;
	s20 =	sshll.u32 s4, $0x1;
	s4 =	sadd.s32 s21, s2  }
0x9d: {  	[timem:s6], [sflag:s22] =	dma.local [hbm:s4], s20  }
0x9e: {  	_ =	swait.ge [sflag:s22], s20  }
0x9f: {  	s3 =	ssub.s32 $0x0, s20;
	[sflag:s22] =	ssyncset.done $0x0  }
0xa0: {  	[sflag:s22] =	ssyncadd.s32 s3;
	_ =	sdelay $0x1  }
0xa1: {  	s23 =	simm.s32 $0x1B8B  }
0xa2: {  	_ =	swait.ge [sflag:s23], $0x1  }
0xa3: {  	[sflag:s23] =	ssyncset.done $0x0  }
0xa4: {  	s25 =	simm.s32 $0x1B8E;
	s24 =	sld [smem:$0x3FFE];
	[sflag:s23] =	ssyncadd.s32 $0xFFFFFFFF  }
0xa5: {  	s26 =	simm.s32 $execute0_lowered;
	[smem:$0x3FD2] =	sst s25  }
0xa6: {  	s4 =	sshll.u32 s26, $0x1;
	_ =	strace $0x8000004C;
	[dreg:$0x1] =	wrdreg $0xFFFFFFFF  }
0xa7: {  	s28 =	simm.s32 $_size_execute0_lowered;
	s2 =	sadd.s32 s2, s4;
	[dreg:$0x0] =	wrdreg $0x0  }
0xa8: {  	s4 =	sshll.u32 s28, $0x1;
	[dreg:$0x2] =	wrdreg s2  }
0xa9: {  	[dreg:$0x3] =	wrdreg s4  }
0xaa: {  	[dreg:$0x4] =	wrdreg $0xC0  }
0xab: {  	_ =	task [dreg:s6], $0x5FFFF  }
0xac: {  	[dreg:$0x1] =	wrdreg $0xFFFFFFFF  }
0xad: {  	[dreg:$0x0] =	wrdreg $0x60  }
0xae: {  	[dreg:$0x2] =	wrdreg s24  }
0xaf: {  	[dreg:$0x3] =	wrdreg $0x90000  }
0xb0: {  	[dreg:$0x4] =	wrdreg $0x9  }
0xb1: {  	_ =	task.clear_ibuf [dreg:s6], $0x5FFFF;
	_ =	strace $0x9000004C  }
0xb2: {  	s29 =	simm.s32 $0x9;
	_ =	strace $0x8000004E  }
0xb3: {  	_ =	swait.ge [sflag:s29], $0x1  }
0xb4: {  	[sflag:s29] =	ssyncadd.s32 $0xFFFFFFFF  }
0xb5: {  	_ =	strace $0x9000004E  }
0xb6: {  	_ =	sfence  }
0xb7: {  	s30 =	sld [smem:$0x0];
	_ =	sdelay $0x2  }
0xb8: {  	s31 =	sshll.u32 s1, $0xD;
	s1 =	sshrl.u32 s1, $0x2  }
0xb9: {  	s3 =	sand.u32 $0x4000, s31;
	s1 =	sadd.s32 s1, s30  }
0xba: {  	s0 =	sor.u32 s3, s0;
	s1 =	sshll.u32 s1, $0x11  }
0xbb: {  	s0 =	sor.u32 s1, s0  }
0xbc: {  	s0 =	sadd.s32 $0x8F2B, s0  }
0xbd: {  	[sflag:s0] =	ssyncadd.remote.s32 $0x1  }
0xbe: {  	_ =	sfence.sel $0xFFFF  }
0xbf: {  	[dreg:$0x0] =	wrdreg $0xFFFFFFFF;
	(pc) =	sbr.abs _section_cstart, $3  }
0xc0: {  	[dreg:$0x1] =	wrdreg $0xFFFFFFFF  }
0xc1: {  	_ =	task.clear_ibuf [dreg:s6], $0x2FFFF;
	_ =	strace $0x9FFFFFFF  }
0xc2: {  	(tm) =	ssettm $0x7FFFFFFF  }
0xc3: {  	_ =	shalt  }
tec
execute0_lowered:
.L_overlay_start_1:
0x0: {  	(tag) =	ssettag $0x1  }
0x1: {  	s6 =	rddreg [dreg:$0x0]  }
0x2: {  	s0 =	srdreg.scid;
	s2 =	rddreg [dreg:$0x1]  }
0x3: {  	s3 =	simm.s32 $0x0;
	s14 =	simm.s32 $0x80;
	s15 =	simm.s32 $0x5000  }
0x4: {  	s16 =	simm.s32 $0x1;
	s5 =	sand.u32 $0x1, s0;
	s0 =	stileid.u32  }
0x5: {  	s17 =	simm.s32 $0x0;
	[smem:$0x7FF] =	sst s3;
	s8 =	smul.u32 $0x13C000, s5  }
0x6: {  	s4 =	sadd.s32 $0x42A00, s6;
	s1 =	sshll.u32 s5, $0x4;
	s9 =	smul.u32 $0x13C00, s0  }
0x7: {  	s30 =	ssub.s32 $0x2, s5;
	s11 =	smul.u32 $0x4F000, s0;
	s5 =	sadd.s32 $0x19000, s6  }
0x8: {  	s12 =	sshll.u32 s0, $0x6;
	s1 =	sor.u32 s0, s1;
	s10 =	sshrl.u32 s30, $0x1  }
0x9: {  	s12 =	sor.u32 $0x1C02, s12;
	s7 =	smul.u32 $0x500, s1;
	s1 =	rddreg [dreg:$0x2]  }
0xa: {  	_ =	strace $0x8000004D;
	s8 =	sadd.s32 s9, s8;
	s9 =	ssub.s32 s30, s10  }
0xb: {  	s31 =	sshrl.u32 s11, $0x2;
	s10 =	simm.s32 $0x2;
	s11 =	simm.s32 $0x2800  }
0xc: {  	s8 =	sshrl.u32 s8, $0x3;
	s13 =	sadd.s32 s31, s2;
	s9 =	smax.u32 s9, $0x1  }
0xd: {  	s7 =	sadd.s32 s7, s6;
	s8 =	sadd.s32 s8, s6;
	s13 =	sshrl.u32 s13, $0x3  }
0xe: {  	s6 =	sadd.s32 $0x5000, s7;
	s7 =	sadd.s32 $0xF000, s7;
	s8 =	sadd.s32 $0x69C00, s8  }
.LBB2_1:
0xf: {  	[tilespmem:s3], [sflag:$0x2] =	stream.linear.gather [hbm4b:s6+s3], $0x2800, $0x38;
	[tilespmem:$0x1CC00] =	vst v63  }
0x10: {  	_ =	swait.ge [sflag:s10], $0x2800  }
0x11: {  	[sflag:s10] =	ssyncset.done $0x0  }
0x12: {  	[sflag:s10] =	ssyncadd.s32 $0xFFFFD800  }
0x13: {  	[tilespmem:s11], [sflag:$0x2] =	stream.linear.gather [hbm4b:s7+s3], $0x2800, $0x38;
	[tilespmem:$0x1CC00] =	vst v63  }
0x14: {  	_ =	swait.ge [sflag:s10], $0x2800  }
0x15: {  	[sflag:s10] =	ssyncset.done $0x0  }
0x16: {  	[sflag:s10] =	ssyncadd.s32 $0xFFFFD800  }
0x17: {  	[spmem:s13], [sflag:s12] =	dma.local [hbm:s5], $0x2780  }
0x18: {  	_ =	swait.ge [sflag:s10], $0x2780  }
0x19: {  	[sflag:s10] =	ssyncset.done $0x0  }
0x1a: {  	[sflag:s10] =	ssyncadd.s32 $0xFFFFD880  }
0x1b: {  	s18 =	simm.s32 $0x0;
	[bflag:$0x0] =	sbarrier.arrive $0xFFFF  }
0x1c: {  	[tilespmem:s15], [sflag:$0x1] =	stream.indirect.gather [hbm4b:s4+s14], $0x80, s18, s14, $0xb8;
	[tilespmem:$0x1CC00] =	vst v63  }
0x1d: {  	_ =	swait.ge [sflag:s16], $0x4000  }
0x1e: {  	[sflag:s16] =	ssyncset.done $0x0  }
0x1f: {  	s31 =	simm.s32 $0x2800;
	[sflag:s16] =	ssyncadd.s32 $0xFFFFC000  }
0x20: {  	[spmem:s2] =	stream.indirect.scatter.add.f32 [tilespmem:s15], [sflag:$0x2], $0x80, s31, s14, $0xb8;
	[tilespmem:$0x1CC00] =	vst v63  }
0x21: {  	_ =	swait.ge [sflag:s10], $0x4000  }
0x22: {  	s19 =	simm.s32 $0x400;
	s18 =	simm.s32 $0x200;
	[sflag:s10] =	ssyncset.done $0x0  }
.LBB2_2:
0x23: {  	s20 =	sshra.s32 s18, $0x2  }
0x24: {  	[sflag:s10] =	ssyncadd.s32 $0xFFFFC000;
	s18 =	smov.u32 s19;
	s21 =	sadd.s32 $0x200, s19  }
0x25: {  	[tilespmem:s15], [sflag:$0x1] =	stream.indirect.gather [hbm4b:s4+s14], $0x80, s20, s14, $0xb8;
	[tilespmem:$0x1CC00] =	vst v63  }
0x26: {  	p0 =	sne.s32 s19, $0x9E00;
	_ =	swait.ge [sflag:s16], $0x4000  }
.Ltmp0:
0x27: {  	[sflag:s16] =	ssyncset.done $0x0;
	(pc) =	sbr.rel @p0 .LBB2_2-.Ltmp0, $4  }
0x28: {  	s19 =	sadd.s32 $0x2800, s20;
	[sflag:s16] =	ssyncadd.s32 $0xFFFFC000  }
0x29: {  	[spmem:s2] =	stream.indirect.scatter.add.f32 [tilespmem:s15], [sflag:$0x2], $0x80, s19, s14, $0xb8;
	[tilespmem:$0x1CC00] =	vst v63  }
0x2a: {  	_ =	swait.ge [sflag:s10], $0x4000  }
0x2b: {  	s19 =	smov.u32 s21;
	[sflag:s10] =	ssyncset.done $0x0  }
0x2c: {  	s18 =	sshra.s32 s18, $0x2;
	[sflag:s10] =	ssyncadd.s32 $0xFFFFC000  }
0x2d: {  	[tilespmem:s15], [sflag:$0x1] =	stream.indirect.gather [hbm4b:s4+s14], $0x80, s18, s14, $0xb8;
	[tilespmem:$0x1CC00] =	vst v63  }
0x2e: {  	_ =	swait.ge [sflag:s16], $0x4000  }
0x2f: {  	[sflag:s16] =	ssyncset.done $0x0  }
0x30: {  	s18 =	sadd.s32 $0x2800, s18;
	[sflag:s16] =	ssyncadd.s32 $0xFFFFC000  }
0x31: {  	[spmem:s2] =	stream.indirect.scatter.add.f32 [tilespmem:s15], [sflag:$0x2], $0x80, s18, s14, $0xb8;
	[tilespmem:$0x1CC00] =	vst v63  }
0x32: {  	_ =	swait.ge [sflag:s10], $0x4000  }
0x33: {  	s17 =	sadd.s32 $0x1, s17;
	[sflag:s10] =	ssyncset.done $0x0  }
0x34: {  	p0 =	sne.s32 s17, s9;
	[sflag:s10] =	ssyncadd.s32 $0xFFFFC000  }
.Ltmp1:
0x35: {  	[bflag:$0x0] =	sbarrier.arrive $0xFFFF;
	(pc) =	sbr.rel @p0 .LBB2_1-.Ltmp1, $4  }
0x36: {  	[hbm:s8], [sflag:s12] =	dma.local [spmem:s13], $0x2780  }
0x37: {  	_ =	swait.ge [sflag:s10], $0x2780  }
0x38: {  	[sflag:s10] =	ssyncset.done $0x0  }
0x39: {  	[sflag:s10] =	ssyncadd.s32 $0xFFFFD880  }
0x3a: {  	_ =	sfence.sel $0x180000  }
0x3b: {  	[bflag:$0x0] =	sbarrier.arrive $0xFFFF  }
0x3c: {  	p0 =	sne.s32 s0, $0x0;
	_ =	strace $0x9000004D  }
0x3d: {  	s0 =	sadd.s32 @!p0 $0x100000, s1;
	[bflag:$0x2] =	sbarrier.arrive $0xFFFF  }
0x3e: {  	[sflag:s0] =	ssyncadd.tile.s32 @!p0 $0x1;
	_ =	shalt  }
.Lfunc_end2:
_tile_overlayer_lowered:
.L_overlay_start_2:
0x3f: {  	(tag) =	ssettag $0x2  }
0x40: {  	s0 =	rddreg [dreg:$0x0];
	s2 =	stileid.u32  }
0x41: {  	s1 =	rddreg [dreg:$0x1];
	p0 =	sne.s32 s2, $0x0  }
0x42: {  	s3 =	rddreg [dreg:$0x2];
	[bflag:$0x3] =	sbarrier.arrive $0xFFFF;
	s2 =	simm.s32 @!p0 $0x1C02  }
0x43: {  	[timem:s3], [sflag:s2] =	dma.local @!p0 [hbm:s0], s1  }
0x44: {  	s0 =	simm.s32 @!p0 $0x2  }
0x45: {  	_ =	swait.ge @!p0 [sflag:s0], s1  }
0x46: {  	s1 =	ssub.s32 @!p0 $0x0, s1;
	[sflag:s0] =	ssyncset.done @!p0 $0x0  }
0x47: {  	[sflag:s0] =	ssyncadd.s32 @!p0 s1  }
0x48: {  	[bflag:$0x3] =	sbarrier.arrive $0xFFFF  }
0x49: {  	_ =	shalt  }

</sc_bundles>
